<compile_context>
chip_gen: v7x
topology: tpu7x:2x2x1
jax: 0.10.2.dev20260603
libtpu: 0.0.44.dev20260713+nightly
codegen_flags: <defaults>
</compile_context>

<pallas_src>
import functools

import jax
import jax.numpy as jnp
from jax import lax
from jax.experimental import pallas as pl
from jax.experimental.pallas import tpu as pltpu
from jax.experimental.pallas import tpu_sc as plsc

N_NODES = 100000
N_EDGES = 3200000
N_PAD = 100096

NC, NS, L = 2, 16, 16
NW = NC * NS
EPT = N_EDGES // NW
CHUNK = 2000
NCHUNK = EPT // CHUNK


def _pack_body(xt_ref, we_ref, be_ref, out_ref):
    xt = xt_ref[...]
    we = we_ref[...]
    be = be_ref[...]
    s_src = (xt[0] * we[0, 0] + xt[1] * we[1, 0]
             + xt[2] * we[2, 0] + xt[3] * we[3, 0] + be[0, 0])
    s_dst = (xt[0] * we[4, 0] + xt[1] * we[5, 0]
             + xt[2] * we[6, 0] + xt[3] * we[7, 0])
    lo = lax.bitcast_convert_type(s_src.astype(jnp.bfloat16), jnp.uint16)
    hi = lax.bitcast_convert_type(s_dst.astype(jnp.bfloat16), jnp.uint16)
    packed = lo.astype(jnp.uint32) | (hi.astype(jnp.uint32) << 16)
    out_ref[...] = lax.bitcast_convert_type(packed, jnp.int32)[None]


_pack = pl.pallas_call(
    _pack_body,
    out_shape=jax.ShapeDtypeStruct((1, N_PAD), jnp.int32),
)



@functools.partial(
    pl.kernel,
    out_type=jax.ShapeDtypeStruct((N_EDGES,), jnp.float32),
    mesh=plsc.VectorSubcoreMesh(core_axis_name="c", subcore_axis_name="s"),
    compiler_params=pltpu.CompilerParams(needs_layout_passes=False),
    scratch_types=(
        [pltpu.VMEM((N_PAD,), jnp.int32)]
        + [pltpu.VMEM((CHUNK,), jnp.int32)] * 8
        + [pltpu.VMEM((CHUNK,), jnp.float32)] * 4
        + [pltpu.VMEM((L,), jnp.float32)]
        + [pltpu.SemaphoreType.DMA] * 8
    ),
)
def _edge_kernel(packed_hbm, ei_hbm, ea_hbm, w8_hbm, out_hbm,
                 table_v, row0, row1, row2, row3, col0, col1, col2, col3,
                 eo0, eo1, eo2, eo3, w8_v,
                 isem0, isem1, isem2, isem3, osem0, osem1, osem2, osem3):
    wid = lax.axis_index("s") * NC + lax.axis_index("c")
    base = wid * EPT
    bufs = ((row0, col0, eo0, isem0, osem0),
            (row1, col1, eo1, isem1, osem1),
            (row2, col2, eo2, isem2, osem2),
            (row3, col3, eo3, isem3, osem3))
    NSLOT = 4

    def in_copies(g, slot):
        rb, cb, eb, isem, _ = bufs[slot]
        off = base + g * CHUNK
        return (
            pltpu.make_async_copy(ei_hbm.at[pl.ds(off, CHUNK)], rb, isem),
            pltpu.make_async_copy(ei_hbm.at[pl.ds(N_EDGES + off, CHUNK)],
                                  cb, isem),
            pltpu.make_async_copy(ea_hbm.at[pl.ds(off, CHUNK)], eb, isem),
        )

    def out_copy(g, slot):
        ob, osem = bufs[slot][2], bufs[slot][4]
        off = base + g * CHUNK
        return pltpu.make_async_copy(ob, out_hbm.at[pl.ds(off, CHUNK)], osem)

    for c in in_copies(0, 0) + in_copies(1, 1):
        c.start()
    pltpu.sync_copy(packed_hbm, table_v)
    pltpu.sync_copy(w8_hbm, w8_v)
    w8 = w8_v[...]

    def process(g, slot):
        rb, cb, eb, _, _ = bufs[slot]
        for c in in_copies(g, slot):
            c.wait()

        @pl.when(g >= 2)
        def _():
            out_copy(g - 2, (slot + 2) % NSLOT).wait()

        @pl.when(g + 2 < NCHUNK)
        def _():
            for c in in_copies(g + 2, (slot + 2) % NSLOT):
                c.start()

        @plsc.parallel_loop(0, CHUNK, step=L, unroll=8)
        def body(i):
            sl = pl.ds(pl.multiple_of(i, L), L)
            wr = plsc.load_gather(table_v, [rb[sl]])
            wc = plsc.load_gather(table_v, [cb[sl]])
            a = plsc.bitcast(wr << 16, jnp.float32)
            b = plsc.bitcast(wc & jnp.int32(-65536), jnp.float32)
            eb[sl] = jnp.maximum(a + b + w8 * eb[sl], 0.0)

        out_copy(g, slot).start()

    def loop_body(g, carry):
        for k in range(NSLOT):
            @pl.when(lax.rem(g, NSLOT) == k)
            def _():
                process(g, k)
        return carry

    lax.fori_loop(0, NCHUNK, loop_body, 0)
    for g in range(NCHUNK - 2, NCHUNK):
        out_copy(g, g % NSLOT).wait()


def kernel(x, edge_index, edge_attr, W_e, b_e, W_n, b_n):
    xt = jnp.pad(x, ((0, N_PAD - N_NODES), (0, 0))).T
    packed = _pack(xt, W_e, b_e.reshape(1, 1))[0]
    ea = edge_attr.reshape(N_EDGES)
    ei = edge_index.reshape(2 * N_EDGES)
    w8 = jnp.full((L,), W_e[8, 0], dtype=jnp.float32)
    out = _edge_kernel(packed, ei, ea, w8)
    return out.reshape(N_EDGES, 1)

# --- scband reference (transcript-rebuilt; emitter-appended) ---
"""Pipeline reference for scband-py-syn-metaas-38946763440397 (READ-ONLY COPY).

The authoritative reference and input builder live on the scoring server;
editing this copy changes nothing except your own understanding.
"""

import jax, jax.numpy as jnp
import numpy as np

N_NODES = 100000
N_EDGES = 3200000
D_FEAT = 4
D_EDGE = 1


def setup_inputs(seed: int = 0) -> dict:
    key = jax.random.key(seed)
    ks = jax.random.split(key, 8)
    x = jax.random.normal(ks[0], (N_NODES, D_FEAT), dtype=jnp.float32)
    edge_index = jax.random.randint(ks[1], (2, N_EDGES), 0, N_NODES, dtype=jnp.int32)
    edge_attr = jax.random.normal(ks[2], (N_EDGES, D_EDGE), dtype=jnp.float32)
    # EdgeModel_1: Linear(9, 1) on cat([src, dest, edge_attr], 1)
    W_e = jax.random.normal(ks[3], (2 * D_FEAT + D_EDGE, 1), dtype=jnp.float32) * (1.0 / np.sqrt(9.0))
    b_e = jax.random.normal(ks[4], (1,), dtype=jnp.float32) * 0.01
    # NodeModel_1: Linear on cat([x[col], edge_attr_new], 1) -> 4 (in-dim fixed to 5 for consistency)
    W_n = jax.random.normal(ks[5], (D_FEAT + 1, 4), dtype=jnp.float32) * (1.0 / np.sqrt(5.0))
    b_n = jax.random.normal(ks[6], (4,), dtype=jnp.float32) * 0.01
    return {"x": x, "edge_index": edge_index, "edge_attr": edge_attr,
            "W_e": W_e, "b_e": b_e, "W_n": W_n, "b_n": b_n}


def reference(x, edge_index, edge_attr, W_e, b_e, W_n, b_n):
    row = edge_index[0]
    col = edge_index[1]
    # EdgeModel_1: edge_mlp = Linear(9,1) + ReLU on cat([src, dest, edge_attr])
    src = jnp.take(x, row, axis=0)
    dest = jnp.take(x, col, axis=0)
    e_in = jnp.concatenate([src, dest, edge_attr], axis=1)
    edge_out = jax.nn.relu(e_in @ W_e + b_e)
    # NodeModel_1: node_mlp_1 = Linear + ReLU on cat([x[col], edge_attr], dim=1)
    n_in = jnp.concatenate([dest, edge_out], axis=1)
    x_out = jax.nn.relu(n_in @ W_n + b_n)
    # PY_SYN_METAAS.forward returns edge_attr from the MetaLayer
    del x_out
    return edge_out

if __name__ == "__main__":
    import jax
    _d = setup_inputs()
    print(jax.jit(kernel)(*tuple(_d.values())))

</pallas_src>

<mosaic_0001>
#map = affine_map<(d0, d1) -> (0)>
module attributes {stable_mosaic.version = 14 : i64} {
  func.func @_edge_kernel(%arg0: i32, %arg1: i32, %arg2: memref<100096xi32, #tpu.memory_space<hbm>>, %arg3: memref<6400000xi32, #tpu.memory_space<hbm>>, %arg4: memref<3200000xf32, #tpu.memory_space<hbm>>, %arg5: memref<16xf32, #tpu.memory_space<hbm>>, %arg6: memref<3200000xf32, #tpu.memory_space<hbm>>, %arg7: memref<100096xi32, #tpu.memory_space<vmem>>, %arg8: memref<2000xi32, #tpu.memory_space<vmem>>, %arg9: memref<2000xi32, #tpu.memory_space<vmem>>, %arg10: memref<2000xi32, #tpu.memory_space<vmem>>, %arg11: memref<2000xi32, #tpu.memory_space<vmem>>, %arg12: memref<2000xi32, #tpu.memory_space<vmem>>, %arg13: memref<2000xi32, #tpu.memory_space<vmem>>, %arg14: memref<2000xi32, #tpu.memory_space<vmem>>, %arg15: memref<2000xi32, #tpu.memory_space<vmem>>, %arg16: memref<2000xf32, #tpu.memory_space<vmem>>, %arg17: memref<2000xf32, #tpu.memory_space<vmem>>, %arg18: memref<2000xf32, #tpu.memory_space<vmem>>, %arg19: memref<2000xf32, #tpu.memory_space<vmem>>, %arg20: memref<16xf32, #tpu.memory_space<vmem>>, %arg21: memref<!tpu.dma_semaphore, #tpu.memory_space<semaphore_mem>>, %arg22: memref<!tpu.dma_semaphore, #tpu.memory_space<semaphore_mem>>, %arg23: memref<!tpu.dma_semaphore, #tpu.memory_space<semaphore_mem>>, %arg24: memref<!tpu.dma_semaphore, #tpu.memory_space<semaphore_mem>>, %arg25: memref<!tpu.dma_semaphore, #tpu.memory_space<semaphore_mem>>, %arg26: memref<!tpu.dma_semaphore, #tpu.memory_space<semaphore_mem>>, %arg27: memref<!tpu.dma_semaphore, #tpu.memory_space<semaphore_mem>>, %arg28: memref<!tpu.dma_semaphore, #tpu.memory_space<semaphore_mem>>) attributes {dimension_semantics = [#tpu.dimension_semantics<core_parallel>, #tpu.dimension_semantics<subcore_parallel>], iteration_bounds = array<i64: 2, 16>, scalar_prefetch = 0 : i64, scratch_operands = 22 : i64, tpu.core_type = #tpu.core_type<sc_vector_subcore>, window_params = [{transform_indices = #map}, {transform_indices = #map}, {transform_indices = #map}, {transform_indices = #map}, {transform_indices = #map}]} {
    %mul3A = arith.constant 2 : i32
    %mul3A_0 = arith.muli %arg1, %mul3A : i32
    %add3A = arith.addi %mul3A_0, %arg0 : i32
    %mul3A_1 = arith.constant 100000 : i32
    %mul3A_2 = arith.muli %add3A, %mul3A_1 : i32
    %add3A_3 = arith.constant 0 : i32
    %add3A_4 = arith.addi %mul3A_2, %add3A_3 : i32
    %add3A_5 = arith.constant 3200000 : i32
    %add3A_6 = arith.addi %add3A_5, %add3A_4 : i32
    %add3A_7 = arith.constant 2000 : i32
    %add3A_8 = arith.addi %mul3A_2, %add3A_7 : i32
    %add3A_9 = arith.constant 3200000 : i32
    %add3A_10 = arith.addi %add3A_9, %add3A_8 : i32
    %dma_start3A = tpu.memref_slice %arg3[%add3A_4] : memref<6400000xi32, #tpu.memory_space<hbm>> -> memref<2000xi32, #tpu.memory_space<hbm>>
    %dma_start3A_11 = tpu.memref_slice %arg3[%add3A_4] : memref<6400000xi32, #tpu.memory_space<hbm>> -> memref<2000xi32, #tpu.memory_space<hbm>>
    tpu.enqueue_dma source(%dma_start3A_11 : memref<2000xi32, #tpu.memory_space<hbm>>) target(%arg8 : memref<2000xi32, #tpu.memory_space<vmem>>) target_semaphore(%arg21 : memref<!tpu.dma_semaphore, #tpu.memory_space<semaphore_mem>>)
    %dma_start3A_12 = tpu.memref_slice %arg3[%add3A_6] : memref<6400000xi32, #tpu.memory_space<hbm>> -> memref<2000xi32, #tpu.memory_space<hbm>>
    %dma_start3A_13 = tpu.memref_slice %arg3[%add3A_6] : memref<6400000xi32, #tpu.memory_space<hbm>> -> memref<2000xi32, #tpu.memory_space<hbm>>
    tpu.enqueue_dma source(%dma_start3A_13 : memref<2000xi32, #tpu.memory_space<hbm>>) target(%arg12 : memref<2000xi32, #tpu.memory_space<vmem>>) target_semaphore(%arg21 : memref<!tpu.dma_semaphore, #tpu.memory_space<semaphore_mem>>)
    %dma_start3A_14 = tpu.memref_slice %arg4[%add3A_4] : memref<3200000xf32, #tpu.memory_space<hbm>> -> memref<2000xf32, #tpu.memory_space<hbm>>
    %dma_start3A_15 = tpu.memref_slice %arg4[%add3A_4] : memref<3200000xf32, #tpu.memory_space<hbm>> -> memref<2000xf32, #tpu.memory_space<hbm>>
    tpu.enqueue_dma source(%dma_start3A_15 : memref<2000xf32, #tpu.memory_space<hbm>>) target(%arg16 : memref<2000xf32, #tpu.memory_space<vmem>>) target_semaphore(%arg21 : memref<!tpu.dma_semaphore, #tpu.memory_space<semaphore_mem>>)
    %dma_start3A_16 = tpu.memref_slice %arg3[%add3A_8] : memref<6400000xi32, #tpu.memory_space<hbm>> -> memref<2000xi32, #tpu.memory_space<hbm>>
    %dma_start3A_17 = tpu.memref_slice %arg3[%add3A_8] : memref<6400000xi32, #tpu.memory_space<hbm>> -> memref<2000xi32, #tpu.memory_space<hbm>>
    tpu.enqueue_dma source(%dma_start3A_17 : memref<2000xi32, #tpu.memory_space<hbm>>) target(%arg9 : memref<2000xi32, #tpu.memory_space<vmem>>) target_semaphore(%arg22 : memref<!tpu.dma_semaphore, #tpu.memory_space<semaphore_mem>>)
    %dma_start3A_18 = tpu.memref_slice %arg3[%add3A_10] : memref<6400000xi32, #tpu.memory_space<hbm>> -> memref<2000xi32, #tpu.memory_space<hbm>>
    %dma_start3A_19 = tpu.memref_slice %arg3[%add3A_10] : memref<6400000xi32, #tpu.memory_space<hbm>> -> memref<2000xi32, #tpu.memory_space<hbm>>
    tpu.enqueue_dma source(%dma_start3A_19 : memref<2000xi32, #tpu.memory_space<hbm>>) target(%arg13 : memref<2000xi32, #tpu.memory_space<vmem>>) target_semaphore(%arg22 : memref<!tpu.dma_semaphore, #tpu.memory_space<semaphore_mem>>)
    %dma_start3A_20 = tpu.memref_slice %arg4[%add3A_8] : memref<3200000xf32, #tpu.memory_space<hbm>> -> memref<2000xf32, #tpu.memory_space<hbm>>
    %dma_start3A_21 = tpu.memref_slice %arg4[%add3A_8] : memref<3200000xf32, #tpu.memory_space<hbm>> -> memref<2000xf32, #tpu.memory_space<hbm>>
    tpu.enqueue_dma source(%dma_start3A_21 : memref<2000xf32, #tpu.memory_space<hbm>>) target(%arg17 : memref<2000xf32, #tpu.memory_space<vmem>>) target_semaphore(%arg22 : memref<!tpu.dma_semaphore, #tpu.memory_space<semaphore_mem>>)
    "tpu.region"() ({
      %run_scoped3A = tpu.sem_alloc : memref<!tpu.dma_semaphore, #tpu.memory_space<semaphore_mem>>
      tpu.enqueue_dma source(%arg2 : memref<100096xi32, #tpu.memory_space<hbm>>) target(%arg7 : memref<100096xi32, #tpu.memory_space<vmem>>) target_semaphore(%run_scoped3A : memref<!tpu.dma_semaphore, #tpu.memory_space<semaphore_mem>>)
      tpu.wait_dma2 semaphore(%run_scoped3A : memref<!tpu.dma_semaphore, #tpu.memory_space<semaphore_mem>>) src(%arg2 : memref<100096xi32, #tpu.memory_space<hbm>>) dst(%arg7 : memref<100096xi32, #tpu.memory_space<vmem>>)
      tpu.yield
    }) : () -> ()
    "tpu.region"() ({
      %run_scoped3A = tpu.sem_alloc : memref<!tpu.dma_semaphore, #tpu.memory_space<semaphore_mem>>
      tpu.enqueue_dma source(%arg5 : memref<16xf32, #tpu.memory_space<hbm>>) target(%arg20 : memref<16xf32, #tpu.memory_space<vmem>>) target_semaphore(%run_scoped3A : memref<!tpu.dma_semaphore, #tpu.memory_space<semaphore_mem>>)
      tpu.wait_dma2 semaphore(%run_scoped3A : memref<!tpu.dma_semaphore, #tpu.memory_space<semaphore_mem>>) src(%arg5 : memref<16xf32, #tpu.memory_space<hbm>>) dst(%arg20 : memref<16xf32, #tpu.memory_space<vmem>>)
      tpu.yield
    }) : () -> ()
    %get3A = arith.constant 0 : index
    %get3A_22 = tpu.vector_load %arg20[%get3A] {strides = array<i32>} : memref<16xf32, #tpu.memory_space<vmem>>, vector<16xf32>,
    %scan3A = arith.constant 0 : i32
    %scan3A_23 = arith.constant 0 : i32
    %scan3A_24 = arith.constant 50 : i32
    %scan3A_25 = arith.addi %scan3A_23, %scan3A_24 : i32
    %scan3A_26 = arith.constant 1 : i32
    scf.for %scan3A_35 = %scan3A_23 to %scan3A_25 step %scan3A_26  : i32 {
      %rem3A = arith.constant 4 : i32
      %rem3A_36 = arith.remsi %scan3A_35, %rem3A : i32
      %eq3A = arith.constant 0 : i32
      %eq3A_37 = arith.cmpi eq, %rem3A_36, %eq3A : i32
      %convert_element_type3A = arith.extui %eq3A_37 : i1 to i32
      %cond3A = arith.constant 0 : i32
      %cond3A_38 = arith.cmpi ne, %convert_element_type3A, %cond3A : i32
      scf.if %cond3A_38 {
        %mul3A_60 = arith.constant 2000 : i32
        %mul3A_61 = arith.muli %scan3A_35, %mul3A_60 : i32
        %add3A_62 = arith.addi %mul3A_2, %mul3A_61 : i32
        %add3A_63 = arith.constant 3200000 : i32
        %add3A_64 = arith.addi %add3A_63, %add3A_62 : i32
        %dma_wait3A_65 = tpu.memref_slice %arg3[%add3A_62] : memref<6400000xi32, #tpu.memory_space<hbm>> -> memref<2000xi32, #tpu.memory_space<hbm>>
        %dma_wait3A_66 = tpu.memref_slice %arg3[%add3A_62] : memref<6400000xi32, #tpu.memory_space<hbm>> -> memref<2000xi32, #tpu.memory_space<hbm>>
        tpu.wait_dma2 semaphore(%arg21 : memref<!tpu.dma_semaphore, #tpu.memory_space<semaphore_mem>>) src(%dma_wait3A_66 : memref<2000xi32, #tpu.memory_space<hbm>>) dst(%arg8 : memref<2000xi32, #tpu.memory_space<vmem>>)
        %dma_wait3A_67 = tpu.memref_slice %arg3[%add3A_64] : memref<6400000xi32, #tpu.memory_space<hbm>> -> memref<2000xi32, #tpu.memory_space<hbm>>
        %dma_wait3A_68 = tpu.memref_slice %arg3[%add3A_64] : memref<6400000xi32, #tpu.memory_space<hbm>> -> memref<2000xi32, #tpu.memory_space<hbm>>
        tpu.wait_dma2 semaphore(%arg21 : memref<!tpu.dma_semaphore, #tpu.memory_space<semaphore_mem>>) src(%dma_wait3A_68 : memref<2000xi32, #tpu.memory_space<hbm>>) dst(%arg12 : memref<2000xi32, #tpu.memory_space<vmem>>)
        %dma_wait3A_69 = tpu.memref_slice %arg4[%add3A_62] : memref<3200000xf32, #tpu.memory_space<hbm>> -> memref<2000xf32, #tpu.memory_space<hbm>>
        %dma_wait3A_70 = tpu.memref_slice %arg4[%add3A_62] : memref<3200000xf32, #tpu.memory_space<hbm>> -> memref<2000xf32, #tpu.memory_space<hbm>>
        tpu.wait_dma2 semaphore(%arg21 : memref<!tpu.dma_semaphore, #tpu.memory_space<semaphore_mem>>) src(%dma_wait3A_70 : memref<2000xf32, #tpu.memory_space<hbm>>) dst(%arg16 : memref<2000xf32, #tpu.memory_space<vmem>>)
        %ge3A = arith.constant 2 : i32
        %ge3A_71 = arith.cmpi sge, %scan3A_35, %ge3A : i32
        %convert_element_type3A_72 = arith.extui %ge3A_71 : i1 to i32
        %cond3A_73 = arith.constant 0 : i32
        %cond3A_74 = arith.cmpi ne, %convert_element_type3A_72, %cond3A_73 : i32
        scf.if %cond3A_74 {
          %sub3A = arith.constant 2 : i32
          %sub3A_88 = arith.subi %scan3A_35, %sub3A : i32
          %mul3A_89 = arith.constant 2000 : i32
          %mul3A_90 = arith.muli %sub3A_88, %mul3A_89 : i32
          %add3A_91 = arith.addi %mul3A_2, %mul3A_90 : i32
          %dma_wait3A_92 = tpu.memref_slice %arg6[%add3A_91] : memref<3200000xf32, #tpu.memory_space<hbm>> -> memref<2000xf32, #tpu.memory_space<hbm>>
          %dma_wait3A_93 = tpu.memref_slice %arg6[%add3A_91] : memref<3200000xf32, #tpu.memory_space<hbm>> -> memref<2000xf32, #tpu.memory_space<hbm>>
          tpu.wait_dma2 semaphore(%arg27 : memref<!tpu.dma_semaphore, #tpu.memory_space<semaphore_mem>>) src(%arg18 : memref<2000xf32, #tpu.memory_space<vmem>>) dst(%dma_wait3A_93 : memref<2000xf32, #tpu.memory_space<hbm>>)
        } else {
        }
        %add3A_75 = arith.constant 2 : i32
        %add3A_76 = arith.addi %scan3A_35, %add3A_75 : i32
        %lt3A = arith.constant 50 : i32
        %lt3A_77 = arith.cmpi slt, %add3A_76, %lt3A : i32
        %convert_element_type3A_78 = arith.extui %lt3A_77 : i1 to i32
        %cond3A_79 = arith.constant 0 : i32
        %cond3A_80 = arith.cmpi ne, %convert_element_type3A_78, %cond3A_79 : i32
        scf.if %cond3A_80 {
          %add3A_88 = arith.constant 2 : i32
          %add3A_89 = arith.addi %scan3A_35, %add3A_88 : i32
          %mul3A_90 = arith.constant 2000 : i32
          %mul3A_91 = arith.muli %add3A_89, %mul3A_90 : i32
          %add3A_92 = arith.addi %mul3A_2, %mul3A_91 : i32
          %add3A_93 = arith.constant 3200000 : i32
          %add3A_94 = arith.addi %add3A_93, %add3A_92 : i32
          %dma_start3A_95 = tpu.memref_slice %arg3[%add3A_92] : memref<6400000xi32, #tpu.memory_space<hbm>> -> memref<2000xi32, #tpu.memory_space<hbm>>
          %dma_start3A_96 = tpu.memref_slice %arg3[%add3A_92] : memref<6400000xi32, #tpu.memory_space<hbm>> -> memref<2000xi32, #tpu.memory_space<hbm>>
          tpu.enqueue_dma source(%dma_start3A_96 : memref<2000xi32, #tpu.memory_space<hbm>>) target(%arg10 : memref<2000xi32, #tpu.memory_space<vmem>>) target_semaphore(%arg23 : memref<!tpu.dma_semaphore, #tpu.memory_space<semaphore_mem>>)
          %dma_start3A_97 = tpu.memref_slice %arg3[%add3A_94] : memref<6400000xi32, #tpu.memory_space<hbm>> -> memref<2000xi32, #tpu.memory_space<hbm>>
          %dma_start3A_98 = tpu.memref_slice %arg3[%add3A_94] : memref<6400000xi32, #tpu.memory_space<hbm>> -> memref<2000xi32, #tpu.memory_space<hbm>>
          tpu.enqueue_dma source(%dma_start3A_98 : memref<2000xi32, #tpu.memory_space<hbm>>) target(%arg14 : memref<2000xi32, #tpu.memory_space<vmem>>) target_semaphore(%arg23 : memref<!tpu.dma_semaphore, #tpu.memory_space<semaphore_mem>>)
          %dma_start3A_99 = tpu.memref_slice %arg4[%add3A_92] : memref<3200000xf32, #tpu.memory_space<hbm>> -> memref<2000xf32, #tpu.memory_space<hbm>>
          %dma_start3A_100 = tpu.memref_slice %arg4[%add3A_92] : memref<3200000xf32, #tpu.memory_space<hbm>> -> memref<2000xf32, #tpu.memory_space<hbm>>
          tpu.enqueue_dma source(%dma_start3A_100 : memref<2000xf32, #tpu.memory_space<hbm>>) target(%arg18 : memref<2000xf32, #tpu.memory_space<vmem>>) target_semaphore(%arg23 : memref<!tpu.dma_semaphore, #tpu.memory_space<semaphore_mem>>)
        } else {
        }
        %parallel_loop3A = arith.constant 0 : i32
        %parallel_loop3A_81 = arith.constant 2000 : i32
        %parallel_loop3A_82 = arith.constant 16 : i32
        scf.for %parallel_loop3A_88 = %parallel_loop3A to %parallel_loop3A_81 step %parallel_loop3A_82  : i32 {
          %parallel_loop3A_89 = tpu.assume_multiple %parallel_loop3A_88, 16 : i32
          %parallel_loop3A_90 = arith.index_cast %parallel_loop3A_89 : i32 to index
          %parallel_loop3A_91 = tpu.vector_load %arg8[%parallel_loop3A_90] {strides = array<i32>} : memref<2000xi32, #tpu.memory_space<vmem>>, vector<16xi32>,
          %parallel_loop3A_92 = tpu.vector_load_idx %arg7[%parallel_loop3A_91] : memref<100096xi32, #tpu.memory_space<vmem>>[vector<16xi32>], vector<16xi32>,
          %parallel_loop3A_93 = arith.index_cast %parallel_loop3A_89 : i32 to index
          %parallel_loop3A_94 = tpu.vector_load %arg12[%parallel_loop3A_93] {strides = array<i32>} : memref<2000xi32, #tpu.memory_space<vmem>>, vector<16xi32>,
          %parallel_loop3A_95 = tpu.vector_load_idx %arg7[%parallel_loop3A_94] : memref<100096xi32, #tpu.memory_space<vmem>>[vector<16xi32>], vector<16xi32>,
          %parallel_loop3A_96 = arith.constant 16 : i32
          %parallel_loop3A_97 = vector.broadcast %parallel_loop3A_96 : i32 to vector<16xi32>
          %parallel_loop3A_98 = arith.shli %parallel_loop3A_92, %parallel_loop3A_97 : vector<16xi32>
          %parallel_loop3A_99 = vector.bitcast %parallel_loop3A_98 : vector<16xi32> to vector<16xf32>
          %parallel_loop3A_100 = arith.constant -65536 : i32
          %parallel_loop3A_101 = vector.broadcast %parallel_loop3A_100 : i32 to vector<16xi32>
          %parallel_loop3A_102 = arith.andi %parallel_loop3A_95, %parallel_loop3A_101 : vector<16xi32>
          %parallel_loop3A_103 = vector.bitcast %parallel_loop3A_102 : vector<16xi32> to vector<16xf32>
          %parallel_loop3A_104 = arith.addf %parallel_loop3A_99, %parallel_loop3A_103 : vector<16xf32>
          %parallel_loop3A_105 = arith.index_cast %parallel_loop3A_89 : i32 to index
          %parallel_loop3A_106 = tpu.vector_load %arg16[%parallel_loop3A_105] {strides = array<i32>} : memref<2000xf32, #tpu.memory_space<vmem>>, vector<16xf32>,
          %parallel_loop3A_107 = arith.mulf %get3A_22, %parallel_loop3A_106 : vector<16xf32>
          %parallel_loop3A_108 = arith.addf %parallel_loop3A_104, %parallel_loop3A_107 : vector<16xf32>
          %parallel_loop3A_109 = arith.constant 0.000000e+00 : f32
          %parallel_loop3A_110 = vector.broadcast %parallel_loop3A_109 : f32 to vector<16xf32>
          %parallel_loop3A_111 = arith.maximumf %parallel_loop3A_108, %parallel_loop3A_110 : vector<16xf32>
          %parallel_loop3A_112 = arith.index_cast %parallel_loop3A_89 : i32 to index
          %parallel_loop3A_113 = tpu.vector_load %arg16[%parallel_loop3A_112] {strides = array<i32>} : memref<2000xf32, #tpu.memory_space<vmem>>, vector<16xf32>,
          tpu.vector_store %arg16[%parallel_loop3A_112], %parallel_loop3A_111 {strides = array<i32>} : memref<2000xf32, #tpu.memory_space<vmem>>, vector<16xf32>,
        } {sc.loop_unroll_factor = 8 : i64, sc.parallel_access}
        %mul3A_83 = arith.constant 2000 : i32
        %mul3A_84 = arith.muli %scan3A_35, %mul3A_83 : i32
        %add3A_85 = arith.addi %mul3A_2, %mul3A_84 : i32
        %dma_start3A_86 = tpu.memref_slice %arg6[%add3A_85] : memref<3200000xf32, #tpu.memory_space<hbm>> -> memref<2000xf32, #tpu.memory_space<hbm>>
        %dma_start3A_87 = tpu.memref_slice %arg6[%add3A_85] : memref<3200000xf32, #tpu.memory_space<hbm>> -> memref<2000xf32, #tpu.memory_space<hbm>>
        tpu.enqueue_dma source(%arg16 : memref<2000xf32, #tpu.memory_space<vmem>>) target(%dma_start3A_87 : memref<2000xf32, #tpu.memory_space<hbm>>) target_semaphore(%arg25 : memref<!tpu.dma_semaphore, #tpu.memory_space<semaphore_mem>>)
      } else {
      }
      %rem3A_39 = arith.constant 4 : i32
      %rem3A_40 = arith.remsi %scan3A_35, %rem3A_39 : i32
      %eq3A_41 = arith.constant 1 : i32
      %eq3A_42 = arith.cmpi eq, %rem3A_40, %eq3A_41 : i32
      %convert_element_type3A_43 = arith.extui %eq3A_42 : i1 to i32
      %cond3A_44 = arith.constant 0 : i32
      %cond3A_45 = arith.cmpi ne, %convert_element_type3A_43, %cond3A_44 : i32
      scf.if %cond3A_45 {
        %mul3A_60 = arith.constant 2000 : i32
        %mul3A_61 = arith.muli %scan3A_35, %mul3A_60 : i32
        %add3A_62 = arith.addi %mul3A_2, %mul3A_61 : i32
        %add3A_63 = arith.constant 3200000 : i32
        %add3A_64 = arith.addi %add3A_63, %add3A_62 : i32
        %dma_wait3A_65 = tpu.memref_slice %arg3[%add3A_62] : memref<6400000xi32, #tpu.memory_space<hbm>> -> memref<2000xi32, #tpu.memory_space<hbm>>
        %dma_wait3A_66 = tpu.memref_slice %arg3[%add3A_62] : memref<6400000xi32, #tpu.memory_space<hbm>> -> memref<2000xi32, #tpu.memory_space<hbm>>
        tpu.wait_dma2 semaphore(%arg22 : memref<!tpu.dma_semaphore, #tpu.memory_space<semaphore_mem>>) src(%dma_wait3A_66 : memref<2000xi32, #tpu.memory_space<hbm>>) dst(%arg9 : memref<2000xi32, #tpu.memory_space<vmem>>)
        %dma_wait3A_67 = tpu.memref_slice %arg3[%add3A_64] : memref<6400000xi32, #tpu.memory_space<hbm>> -> memref<2000xi32, #tpu.memory_space<hbm>>
        %dma_wait3A_68 = tpu.memref_slice %arg3[%add3A_64] : memref<6400000xi32, #tpu.memory_space<hbm>> -> memref<2000xi32, #tpu.memory_space<hbm>>
        tpu.wait_dma2 semaphore(%arg22 : memref<!tpu.dma_semaphore, #tpu.memory_space<semaphore_mem>>) src(%dma_wait3A_68 : memref<2000xi32, #tpu.memory_space<hbm>>) dst(%arg13 : memref<2000xi32, #tpu.memory_space<vmem>>)
        %dma_wait3A_69 = tpu.memref_slice %arg4[%add3A_62] : memref<3200000xf32, #tpu.memory_space<hbm>> -> memref<2000xf32, #tpu.memory_space<hbm>>
        %dma_wait3A_70 = tpu.memref_slice %arg4[%add3A_62] : memref<3200000xf32, #tpu.memory_space<hbm>> -> memref<2000xf32, #tpu.memory_space<hbm>>
        tpu.wait_dma2 semaphore(%arg22 : memref<!tpu.dma_semaphore, #tpu.memory_space<semaphore_mem>>) src(%dma_wait3A_70 : memref<2000xf32, #tpu.memory_space<hbm>>) dst(%arg17 : memref<2000xf32, #tpu.memory_space<vmem>>)
        %ge3A = arith.constant 2 : i32
        %ge3A_71 = arith.cmpi sge, %scan3A_35, %ge3A : i32
        %convert_element_type3A_72 = arith.extui %ge3A_71 : i1 to i32
        %cond3A_73 = arith.constant 0 : i32
        %cond3A_74 = arith.cmpi ne, %convert_element_type3A_72, %cond3A_73 : i32
        scf.if %cond3A_74 {
          %sub3A = arith.constant 2 : i32
          %sub3A_88 = arith.subi %scan3A_35, %sub3A : i32
          %mul3A_89 = arith.constant 2000 : i32
          %mul3A_90 = arith.muli %sub3A_88, %mul3A_89 : i32
          %add3A_91 = arith.addi %mul3A_2, %mul3A_90 : i32
          %dma_wait3A_92 = tpu.memref_slice %arg6[%add3A_91] : memref<3200000xf32, #tpu.memory_space<hbm>> -> memref<2000xf32, #tpu.memory_space<hbm>>
          %dma_wait3A_93 = tpu.memref_slice %arg6[%add3A_91] : memref<3200000xf32, #tpu.memory_space<hbm>> -> memref<2000xf32, #tpu.memory_space<hbm>>
          tpu.wait_dma2 semaphore(%arg28 : memref<!tpu.dma_semaphore, #tpu.memory_space<semaphore_mem>>) src(%arg19 : memref<2000xf32, #tpu.memory_space<vmem>>) dst(%dma_wait3A_93 : memref<2000xf32, #tpu.memory_space<hbm>>)
        } else {
        }
        %add3A_75 = arith.constant 2 : i32
        %add3A_76 = arith.addi %scan3A_35, %add3A_75 : i32
        %lt3A = arith.constant 50 : i32
        %lt3A_77 = arith.cmpi slt, %add3A_76, %lt3A : i32
        %convert_element_type3A_78 = arith.extui %lt3A_77 : i1 to i32
        %cond3A_79 = arith.constant 0 : i32
        %cond3A_80 = arith.cmpi ne, %convert_element_type3A_78, %cond3A_79 : i32
        scf.if %cond3A_80 {
          %add3A_88 = arith.constant 2 : i32
          %add3A_89 = arith.addi %scan3A_35, %add3A_88 : i32
          %mul3A_90 = arith.constant 2000 : i32
          %mul3A_91 = arith.muli %add3A_89, %mul3A_90 : i32
          %add3A_92 = arith.addi %mul3A_2, %mul3A_91 : i32
          %add3A_93 = arith.constant 3200000 : i32
          %add3A_94 = arith.addi %add3A_93, %add3A_92 : i32
          %dma_start3A_95 = tpu.memref_slice %arg3[%add3A_92] : memref<6400000xi32, #tpu.memory_space<hbm>> -> memref<2000xi32, #tpu.memory_space<hbm>>
          %dma_start3A_96 = tpu.memref_slice %arg3[%add3A_92] : memref<6400000xi32, #tpu.memory_space<hbm>> -> memref<2000xi32, #tpu.memory_space<hbm>>
          tpu.enqueue_dma source(%dma_start3A_96 : memref<2000xi32, #tpu.memory_space<hbm>>) target(%arg11 : memref<2000xi32, #tpu.memory_space<vmem>>) target_semaphore(%arg24 : memref<!tpu.dma_semaphore, #tpu.memory_space<semaphore_mem>>)
          %dma_start3A_97 = tpu.memref_slice %arg3[%add3A_94] : memref<6400000xi32, #tpu.memory_space<hbm>> -> memref<2000xi32, #tpu.memory_space<hbm>>
          %dma_start3A_98 = tpu.memref_slice %arg3[%add3A_94] : memref<6400000xi32, #tpu.memory_space<hbm>> -> memref<2000xi32, #tpu.memory_space<hbm>>
          tpu.enqueue_dma source(%dma_start3A_98 : memref<2000xi32, #tpu.memory_space<hbm>>) target(%arg15 : memref<2000xi32, #tpu.memory_space<vmem>>) target_semaphore(%arg24 : memref<!tpu.dma_semaphore, #tpu.memory_space<semaphore_mem>>)
          %dma_start3A_99 = tpu.memref_slice %arg4[%add3A_92] : memref<3200000xf32, #tpu.memory_space<hbm>> -> memref<2000xf32, #tpu.memory_space<hbm>>
          %dma_start3A_100 = tpu.memref_slice %arg4[%add3A_92] : memref<3200000xf32, #tpu.memory_space<hbm>> -> memref<2000xf32, #tpu.memory_space<hbm>>
          tpu.enqueue_dma source(%dma_start3A_100 : memref<2000xf32, #tpu.memory_space<hbm>>) target(%arg19 : memref<2000xf32, #tpu.memory_space<vmem>>) target_semaphore(%arg24 : memref<!tpu.dma_semaphore, #tpu.memory_space<semaphore_mem>>)
        } else {
        }
        %parallel_loop3A = arith.constant 0 : i32
        %parallel_loop3A_81 = arith.constant 2000 : i32
        %parallel_loop3A_82 = arith.constant 16 : i32
        scf.for %parallel_loop3A_88 = %parallel_loop3A to %parallel_loop3A_81 step %parallel_loop3A_82  : i32 {
          %parallel_loop3A_89 = tpu.assume_multiple %parallel_loop3A_88, 16 : i32
          %parallel_loop3A_90 = arith.index_cast %parallel_loop3A_89 : i32 to index
          %parallel_loop3A_91 = tpu.vector_load %arg9[%parallel_loop3A_90] {strides = array<i32>} : memref<2000xi32, #tpu.memory_space<vmem>>, vector<16xi32>,
          %parallel_loop3A_92 = tpu.vector_load_idx %arg7[%parallel_loop3A_91] : memref<100096xi32, #tpu.memory_space<vmem>>[vector<16xi32>], vector<16xi32>,
          %parallel_loop3A_93 = arith.index_cast %parallel_loop3A_89 : i32 to index
          %parallel_loop3A_94 = tpu.vector_load %arg13[%parallel_loop3A_93] {strides = array<i32>} : memref<2000xi32, #tpu.memory_space<vmem>>, vector<16xi32>,
          %parallel_loop3A_95 = tpu.vector_load_idx %arg7[%parallel_loop3A_94] : memref<100096xi32, #tpu.memory_space<vmem>>[vector<16xi32>], vector<16xi32>,
          %parallel_loop3A_96 = arith.constant 16 : i32
          %parallel_loop3A_97 = vector.broadcast %parallel_loop3A_96 : i32 to vector<16xi32>
          %parallel_loop3A_98 = arith.shli %parallel_loop3A_92, %parallel_loop3A_97 : vector<16xi32>
          %parallel_loop3A_99 = vector.bitcast %parallel_loop3A_98 : vector<16xi32> to vector<16xf32>
          %parallel_loop3A_100 = arith.constant -65536 : i32
          %parallel_loop3A_101 = vector.broadcast %parallel_loop3A_100 : i32 to vector<16xi32>
          %parallel_loop3A_102 = arith.andi %parallel_loop3A_95, %parallel_loop3A_101 : vector<16xi32>
          %parallel_loop3A_103 = vector.bitcast %parallel_loop3A_102 : vector<16xi32> to vector<16xf32>
          %parallel_loop3A_104 = arith.addf %parallel_loop3A_99, %parallel_loop3A_103 : vector<16xf32>
          %parallel_loop3A_105 = arith.index_cast %parallel_loop3A_89 : i32 to index
          %parallel_loop3A_106 = tpu.vector_load %arg17[%parallel_loop3A_105] {strides = array<i32>} : memref<2000xf32, #tpu.memory_space<vmem>>, vector<16xf32>,
          %parallel_loop3A_107 = arith.mulf %get3A_22, %parallel_loop3A_106 : vector<16xf32>
          %parallel_loop3A_108 = arith.addf %parallel_loop3A_104, %parallel_loop3A_107 : vector<16xf32>
          %parallel_loop3A_109 = arith.constant 0.000000e+00 : f32
          %parallel_loop3A_110 = vector.broadcast %parallel_loop3A_109 : f32 to vector<16xf32>
          %parallel_loop3A_111 = arith.maximumf %parallel_loop3A_108, %parallel_loop3A_110 : vector<16xf32>
          %parallel_loop3A_112 = arith.index_cast %parallel_loop3A_89 : i32 to index
          %parallel_loop3A_113 = tpu.vector_load %arg17[%parallel_loop3A_112] {strides = array<i32>} : memref<2000xf32, #tpu.memory_space<vmem>>, vector<16xf32>,
          tpu.vector_store %arg17[%parallel_loop3A_112], %parallel_loop3A_111 {strides = array<i32>} : memref<2000xf32, #tpu.memory_space<vmem>>, vector<16xf32>,
        } {sc.loop_unroll_factor = 8 : i64, sc.parallel_access}
        %mul3A_83 = arith.constant 2000 : i32
        %mul3A_84 = arith.muli %scan3A_35, %mul3A_83 : i32
        %add3A_85 = arith.addi %mul3A_2, %mul3A_84 : i32
        %dma_start3A_86 = tpu.memref_slice %arg6[%add3A_85] : memref<3200000xf32, #tpu.memory_space<hbm>> -> memref<2000xf32, #tpu.memory_space<hbm>>
        %dma_start3A_87 = tpu.memref_slice %arg6[%add3A_85] : memref<3200000xf32, #tpu.memory_space<hbm>> -> memref<2000xf32, #tpu.memory_space<hbm>>
        tpu.enqueue_dma source(%arg17 : memref<2000xf32, #tpu.memory_space<vmem>>) target(%dma_start3A_87 : memref<2000xf32, #tpu.memory_space<hbm>>) target_semaphore(%arg26 : memref<!tpu.dma_semaphore, #tpu.memory_space<semaphore_mem>>)
      } else {
      }
      %rem3A_46 = arith.constant 4 : i32
      %rem3A_47 = arith.remsi %scan3A_35, %rem3A_46 : i32
      %eq3A_48 = arith.constant 2 : i32
      %eq3A_49 = arith.cmpi eq, %rem3A_47, %eq3A_48 : i32
      %convert_element_type3A_50 = arith.extui %eq3A_49 : i1 to i32
      %cond3A_51 = arith.constant 0 : i32
      %cond3A_52 = arith.cmpi ne, %convert_element_type3A_50, %cond3A_51 : i32
      scf.if %cond3A_52 {
        %mul3A_60 = arith.constant 2000 : i32
        %mul3A_61 = arith.muli %scan3A_35, %mul3A_60 : i32
        %add3A_62 = arith.addi %mul3A_2, %mul3A_61 : i32
        %add3A_63 = arith.constant 3200000 : i32
        %add3A_64 = arith.addi %add3A_63, %add3A_62 : i32
        %dma_wait3A_65 = tpu.memref_slice %arg3[%add3A_62] : memref<6400000xi32, #tpu.memory_space<hbm>> -> memref<2000xi32, #tpu.memory_space<hbm>>
        %dma_wait3A_66 = tpu.memref_slice %arg3[%add3A_62] : memref<6400000xi32, #tpu.memory_space<hbm>> -> memref<2000xi32, #tpu.memory_space<hbm>>
        tpu.wait_dma2 semaphore(%arg23 : memref<!tpu.dma_semaphore, #tpu.memory_space<semaphore_mem>>) src(%dma_wait3A_66 : memref<2000xi32, #tpu.memory_space<hbm>>) dst(%arg10 : memref<2000xi32, #tpu.memory_space<vmem>>)
        %dma_wait3A_67 = tpu.memref_slice %arg3[%add3A_64] : memref<6400000xi32, #tpu.memory_space<hbm>> -> memref<2000xi32, #tpu.memory_space<hbm>>
        %dma_wait3A_68 = tpu.memref_slice %arg3[%add3A_64] : memref<6400000xi32, #tpu.memory_space<hbm>> -> memref<2000xi32, #tpu.memory_space<hbm>>
        tpu.wait_dma2 semaphore(%arg23 : memref<!tpu.dma_semaphore, #tpu.memory_space<semaphore_mem>>) src(%dma_wait3A_68 : memref<2000xi32, #tpu.memory_space<hbm>>) dst(%arg14 : memref<2000xi32, #tpu.memory_space<vmem>>)
        %dma_wait3A_69 = tpu.memref_slice %arg4[%add3A_62] : memref<3200000xf32, #tpu.memory_space<hbm>> -> memref<2000xf32, #tpu.memory_space<hbm>>
        %dma_wait3A_70 = tpu.memref_slice %arg4[%add3A_62] : memref<3200000xf32, #tpu.memory_space<hbm>> -> memref<2000xf32, #tpu.memory_space<hbm>>
        tpu.wait_dma2 semaphore(%arg23 : memref<!tpu.dma_semaphore, #tpu.memory_space<semaphore_mem>>) src(%dma_wait3A_70 : memref<2000xf32, #tpu.memory_space<hbm>>) dst(%arg18 : memref<2000xf32, #tpu.memory_space<vmem>>)
        %ge3A = arith.constant 2 : i32
        %ge3A_71 = arith.cmpi sge, %scan3A_35, %ge3A : i32
        %convert_element_type3A_72 = arith.extui %ge3A_71 : i1 to i32
        %cond3A_73 = arith.constant 0 : i32
        %cond3A_74 = arith.cmpi ne, %convert_element_type3A_72, %cond3A_73 : i32
        scf.if %cond3A_74 {
          %sub3A = arith.constant 2 : i32
          %sub3A_88 = arith.subi %scan3A_35, %sub3A : i32
          %mul3A_89 = arith.constant 2000 : i32
          %mul3A_90 = arith.muli %sub3A_88, %mul3A_89 : i32
          %add3A_91 = arith.addi %mul3A_2, %mul3A_90 : i32
          %dma_wait3A_92 = tpu.memref_slice %arg6[%add3A_91] : memref<3200000xf32, #tpu.memory_space<hbm>> -> memref<2000xf32, #tpu.memory_space<hbm>>
          %dma_wait3A_93 = tpu.memref_slice %arg6[%add3A_91] : memref<3200000xf32, #tpu.memory_space<hbm>> -> memref<2000xf32, #tpu.memory_space<hbm>>
          tpu.wait_dma2 semaphore(%arg25 : memref<!tpu.dma_semaphore, #tpu.memory_space<semaphore_mem>>) src(%arg16 : memref<2000xf32, #tpu.memory_space<vmem>>) dst(%dma_wait3A_93 : memref<2000xf32, #tpu.memory_space<hbm>>)
        } else {
        }
        %add3A_75 = arith.constant 2 : i32
        %add3A_76 = arith.addi %scan3A_35, %add3A_75 : i32
        %lt3A = arith.constant 50 : i32
        %lt3A_77 = arith.cmpi slt, %add3A_76, %lt3A : i32
        %convert_element_type3A_78 = arith.extui %lt3A_77 : i1 to i32
        %cond3A_79 = arith.constant 0 : i32
        %cond3A_80 = arith.cmpi ne, %convert_element_type3A_78, %cond3A_79 : i32
        scf.if %cond3A_80 {
          %add3A_88 = arith.constant 2 : i32
          %add3A_89 = arith.addi %scan3A_35, %add3A_88 : i32
          %mul3A_90 = arith.constant 2000 : i32
          %mul3A_91 = arith.muli %add3A_89, %mul3A_90 : i32
          %add3A_92 = arith.addi %mul3A_2, %mul3A_91 : i32
          %add3A_93 = arith.constant 3200000 : i32
          %add3A_94 = arith.addi %add3A_93, %add3A_92 : i32
          %dma_start3A_95 = tpu.memref_slice %arg3[%add3A_92] : memref<6400000xi32, #tpu.memory_space<hbm>> -> memref<2000xi32, #tpu.memory_space<hbm>>
          %dma_start3A_96 = tpu.memref_slice %arg3[%add3A_92] : memref<6400000xi32, #tpu.memory_space<hbm>> -> memref<2000xi32, #tpu.memory_space<hbm>>
          tpu.enqueue_dma source(%dma_start3A_96 : memref<2000xi32, #tpu.memory_space<hbm>>) target(%arg8 : memref<2000xi32, #tpu.memory_space<vmem>>) target_semaphore(%arg21 : memref<!tpu.dma_semaphore, #tpu.memory_space<semaphore_mem>>)
          %dma_start3A_97 = tpu.memref_slice %arg3[%add3A_94] : memref<6400000xi32, #tpu.memory_space<hbm>> -> memref<2000xi32, #tpu.memory_space<hbm>>
          %dma_start3A_98 = tpu.memref_slice %arg3[%add3A_94] : memref<6400000xi32, #tpu.memory_space<hbm>> -> memref<2000xi32, #tpu.memory_space<hbm>>
          tpu.enqueue_dma source(%dma_start3A_98 : memref<2000xi32, #tpu.memory_space<hbm>>) target(%arg12 : memref<2000xi32, #tpu.memory_space<vmem>>) target_semaphore(%arg21 : memref<!tpu.dma_semaphore, #tpu.memory_space<semaphore_mem>>)
          %dma_start3A_99 = tpu.memref_slice %arg4[%add3A_92] : memref<3200000xf32, #tpu.memory_space<hbm>> -> memref<2000xf32, #tpu.memory_space<hbm>>
          %dma_start3A_100 = tpu.memref_slice %arg4[%add3A_92] : memref<3200000xf32, #tpu.memory_space<hbm>> -> memref<2000xf32, #tpu.memory_space<hbm>>
          tpu.enqueue_dma source(%dma_start3A_100 : memref<2000xf32, #tpu.memory_space<hbm>>) target(%arg16 : memref<2000xf32, #tpu.memory_space<vmem>>) target_semaphore(%arg21 : memref<!tpu.dma_semaphore, #tpu.memory_space<semaphore_mem>>)
        } else {
        }
        %parallel_loop3A = arith.constant 0 : i32
        %parallel_loop3A_81 = arith.constant 2000 : i32
        %parallel_loop3A_82 = arith.constant 16 : i32
        scf.for %parallel_loop3A_88 = %parallel_loop3A to %parallel_loop3A_81 step %parallel_loop3A_82  : i32 {
          %parallel_loop3A_89 = tpu.assume_multiple %parallel_loop3A_88, 16 : i32
          %parallel_loop3A_90 = arith.index_cast %parallel_loop3A_89 : i32 to index
          %parallel_loop3A_91 = tpu.vector_load %arg10[%parallel_loop3A_90] {strides = array<i32>} : memref<2000xi32, #tpu.memory_space<vmem>>, vector<16xi32>,
          %parallel_loop3A_92 = tpu.vector_load_idx %arg7[%parallel_loop3A_91] : memref<100096xi32, #tpu.memory_space<vmem>>[vector<16xi32>], vector<16xi32>,
          %parallel_loop3A_93 = arith.index_cast %parallel_loop3A_89 : i32 to index
          %parallel_loop3A_94 = tpu.vector_load %arg14[%parallel_loop3A_93] {strides = array<i32>} : memref<2000xi32, #tpu.memory_space<vmem>>, vector<16xi32>,
          %parallel_loop3A_95 = tpu.vector_load_idx %arg7[%parallel_loop3A_94] : memref<100096xi32, #tpu.memory_space<vmem>>[vector<16xi32>], vector<16xi32>,
          %parallel_loop3A_96 = arith.constant 16 : i32
          %parallel_loop3A_97 = vector.broadcast %parallel_loop3A_96 : i32 to vector<16xi32>
          %parallel_loop3A_98 = arith.shli %parallel_loop3A_92, %parallel_loop3A_97 : vector<16xi32>
          %parallel_loop3A_99 = vector.bitcast %parallel_loop3A_98 : vector<16xi32> to vector<16xf32>
          %parallel_loop3A_100 = arith.constant -65536 : i32
          %parallel_loop3A_101 = vector.broadcast %parallel_loop3A_100 : i32 to vector<16xi32>
          %parallel_loop3A_102 = arith.andi %parallel_loop3A_95, %parallel_loop3A_101 : vector<16xi32>
          %parallel_loop3A_103 = vector.bitcast %parallel_loop3A_102 : vector<16xi32> to vector<16xf32>
          %parallel_loop3A_104 = arith.addf %parallel_loop3A_99, %parallel_loop3A_103 : vector<16xf32>
          %parallel_loop3A_105 = arith.index_cast %parallel_loop3A_89 : i32 to index
          %parallel_loop3A_106 = tpu.vector_load %arg18[%parallel_loop3A_105] {strides = array<i32>} : memref<2000xf32, #tpu.memory_space<vmem>>, vector<16xf32>,
          %parallel_loop3A_107 = arith.mulf %get3A_22, %parallel_loop3A_106 : vector<16xf32>
          %parallel_loop3A_108 = arith.addf %parallel_loop3A_104, %parallel_loop3A_107 : vector<16xf32>
          %parallel_loop3A_109 = arith.constant 0.000000e+00 : f32
          %parallel_loop3A_110 = vector.broadcast %parallel_loop3A_109 : f32 to vector<16xf32>
          %parallel_loop3A_111 = arith.maximumf %parallel_loop3A_108, %parallel_loop3A_110 : vector<16xf32>
          %parallel_loop3A_112 = arith.index_cast %parallel_loop3A_89 : i32 to index
          %parallel_loop3A_113 = tpu.vector_load %arg18[%parallel_loop3A_112] {strides = array<i32>} : memref<2000xf32, #tpu.memory_space<vmem>>, vector<16xf32>,
          tpu.vector_store %arg18[%parallel_loop3A_112], %parallel_loop3A_111 {strides = array<i32>} : memref<2000xf32, #tpu.memory_space<vmem>>, vector<16xf32>,
        } {sc.loop_unroll_factor = 8 : i64, sc.parallel_access}
        %mul3A_83 = arith.constant 2000 : i32
        %mul3A_84 = arith.muli %scan3A_35, %mul3A_83 : i32
        %add3A_85 = arith.addi %mul3A_2, %mul3A_84 : i32
        %dma_start3A_86 = tpu.memref_slice %arg6[%add3A_85] : memref<3200000xf32, #tpu.memory_space<hbm>> -> memref<2000xf32, #tpu.memory_space<hbm>>
        %dma_start3A_87 = tpu.memref_slice %arg6[%add3A_85] : memref<3200000xf32, #tpu.memory_space<hbm>> -> memref<2000xf32, #tpu.memory_space<hbm>>
        tpu.enqueue_dma source(%arg18 : memref<2000xf32, #tpu.memory_space<vmem>>) target(%dma_start3A_87 : memref<2000xf32, #tpu.memory_space<hbm>>) target_semaphore(%arg27 : memref<!tpu.dma_semaphore, #tpu.memory_space<semaphore_mem>>)
      } else {
      }
      %rem3A_53 = arith.constant 4 : i32
      %rem3A_54 = arith.remsi %scan3A_35, %rem3A_53 : i32
      %eq3A_55 = arith.constant 3 : i32
      %eq3A_56 = arith.cmpi eq, %rem3A_54, %eq3A_55 : i32
      %convert_element_type3A_57 = arith.extui %eq3A_56 : i1 to i32
      %cond3A_58 = arith.constant 0 : i32
      %cond3A_59 = arith.cmpi ne, %convert_element_type3A_57, %cond3A_58 : i32
      scf.if %cond3A_59 {
        %mul3A_60 = arith.constant 2000 : i32
        %mul3A_61 = arith.muli %scan3A_35, %mul3A_60 : i32
        %add3A_62 = arith.addi %mul3A_2, %mul3A_61 : i32
        %add3A_63 = arith.constant 3200000 : i32
        %add3A_64 = arith.addi %add3A_63, %add3A_62 : i32
        %dma_wait3A_65 = tpu.memref_slice %arg3[%add3A_62] : memref<6400000xi32, #tpu.memory_space<hbm>> -> memref<2000xi32, #tpu.memory_space<hbm>>
        %dma_wait3A_66 = tpu.memref_slice %arg3[%add3A_62] : memref<6400000xi32, #tpu.memory_space<hbm>> -> memref<2000xi32, #tpu.memory_space<hbm>>
        tpu.wait_dma2 semaphore(%arg24 : memref<!tpu.dma_semaphore, #tpu.memory_space<semaphore_mem>>) src(%dma_wait3A_66 : memref<2000xi32, #tpu.memory_space<hbm>>) dst(%arg11 : memref<2000xi32, #tpu.memory_space<vmem>>)
        %dma_wait3A_67 = tpu.memref_slice %arg3[%add3A_64] : memref<6400000xi32, #tpu.memory_space<hbm>> -> memref<2000xi32, #tpu.memory_space<hbm>>
        %dma_wait3A_68 = tpu.memref_slice %arg3[%add3A_64] : memref<6400000xi32, #tpu.memory_space<hbm>> -> memref<2000xi32, #tpu.memory_space<hbm>>
        tpu.wait_dma2 semaphore(%arg24 : memref<!tpu.dma_semaphore, #tpu.memory_space<semaphore_mem>>) src(%dma_wait3A_68 : memref<2000xi32, #tpu.memory_space<hbm>>) dst(%arg15 : memref<2000xi32, #tpu.memory_space<vmem>>)
        %dma_wait3A_69 = tpu.memref_slice %arg4[%add3A_62] : memref<3200000xf32, #tpu.memory_space<hbm>> -> memref<2000xf32, #tpu.memory_space<hbm>>
        %dma_wait3A_70 = tpu.memref_slice %arg4[%add3A_62] : memref<3200000xf32, #tpu.memory_space<hbm>> -> memref<2000xf32, #tpu.memory_space<hbm>>
        tpu.wait_dma2 semaphore(%arg24 : memref<!tpu.dma_semaphore, #tpu.memory_space<semaphore_mem>>) src(%dma_wait3A_70 : memref<2000xf32, #tpu.memory_space<hbm>>) dst(%arg19 : memref<2000xf32, #tpu.memory_space<vmem>>)
        %ge3A = arith.constant 2 : i32
        %ge3A_71 = arith.cmpi sge, %scan3A_35, %ge3A : i32
        %convert_element_type3A_72 = arith.extui %ge3A_71 : i1 to i32
        %cond3A_73 = arith.constant 0 : i32
        %cond3A_74 = arith.cmpi ne, %convert_element_type3A_72, %cond3A_73 : i32
        scf.if %cond3A_74 {
          %sub3A = arith.constant 2 : i32
          %sub3A_88 = arith.subi %scan3A_35, %sub3A : i32
          %mul3A_89 = arith.constant 2000 : i32
          %mul3A_90 = arith.muli %sub3A_88, %mul3A_89 : i32
          %add3A_91 = arith.addi %mul3A_2, %mul3A_90 : i32
          %dma_wait3A_92 = tpu.memref_slice %arg6[%add3A_91] : memref<3200000xf32, #tpu.memory_space<hbm>> -> memref<2000xf32, #tpu.memory_space<hbm>>
          %dma_wait3A_93 = tpu.memref_slice %arg6[%add3A_91] : memref<3200000xf32, #tpu.memory_space<hbm>> -> memref<2000xf32, #tpu.memory_space<hbm>>
          tpu.wait_dma2 semaphore(%arg26 : memref<!tpu.dma_semaphore, #tpu.memory_space<semaphore_mem>>) src(%arg17 : memref<2000xf32, #tpu.memory_space<vmem>>) dst(%dma_wait3A_93 : memref<2000xf32, #tpu.memory_space<hbm>>)
        } else {
        }
        %add3A_75 = arith.constant 2 : i32
        %add3A_76 = arith.addi %scan3A_35, %add3A_75 : i32
        %lt3A = arith.constant 50 : i32
        %lt3A_77 = arith.cmpi slt, %add3A_76, %lt3A : i32
        %convert_element_type3A_78 = arith.extui %lt3A_77 : i1 to i32
        %cond3A_79 = arith.constant 0 : i32
        %cond3A_80 = arith.cmpi ne, %convert_element_type3A_78, %cond3A_79 : i32
        scf.if %cond3A_80 {
          %add3A_88 = arith.constant 2 : i32
          %add3A_89 = arith.addi %scan3A_35, %add3A_88 : i32
          %mul3A_90 = arith.constant 2000 : i32
          %mul3A_91 = arith.muli %add3A_89, %mul3A_90 : i32
          %add3A_92 = arith.addi %mul3A_2, %mul3A_91 : i32
          %add3A_93 = arith.constant 3200000 : i32
          %add3A_94 = arith.addi %add3A_93, %add3A_92 : i32
          %dma_start3A_95 = tpu.memref_slice %arg3[%add3A_92] : memref<6400000xi32, #tpu.memory_space<hbm>> -> memref<2000xi32, #tpu.memory_space<hbm>>
          %dma_start3A_96 = tpu.memref_slice %arg3[%add3A_92] : memref<6400000xi32, #tpu.memory_space<hbm>> -> memref<2000xi32, #tpu.memory_space<hbm>>
          tpu.enqueue_dma source(%dma_start3A_96 : memref<2000xi32, #tpu.memory_space<hbm>>) target(%arg9 : memref<2000xi32, #tpu.memory_space<vmem>>) target_semaphore(%arg22 : memref<!tpu.dma_semaphore, #tpu.memory_space<semaphore_mem>>)
          %dma_start3A_97 = tpu.memref_slice %arg3[%add3A_94] : memref<6400000xi32, #tpu.memory_space<hbm>> -> memref<2000xi32, #tpu.memory_space<hbm>>
          %dma_start3A_98 = tpu.memref_slice %arg3[%add3A_94] : memref<6400000xi32, #tpu.memory_space<hbm>> -> memref<2000xi32, #tpu.memory_space<hbm>>
          tpu.enqueue_dma source(%dma_start3A_98 : memref<2000xi32, #tpu.memory_space<hbm>>) target(%arg13 : memref<2000xi32, #tpu.memory_space<vmem>>) target_semaphore(%arg22 : memref<!tpu.dma_semaphore, #tpu.memory_space<semaphore_mem>>)
          %dma_start3A_99 = tpu.memref_slice %arg4[%add3A_92] : memref<3200000xf32, #tpu.memory_space<hbm>> -> memref<2000xf32, #tpu.memory_space<hbm>>
          %dma_start3A_100 = tpu.memref_slice %arg4[%add3A_92] : memref<3200000xf32, #tpu.memory_space<hbm>> -> memref<2000xf32, #tpu.memory_space<hbm>>
          tpu.enqueue_dma source(%dma_start3A_100 : memref<2000xf32, #tpu.memory_space<hbm>>) target(%arg17 : memref<2000xf32, #tpu.memory_space<vmem>>) target_semaphore(%arg22 : memref<!tpu.dma_semaphore, #tpu.memory_space<semaphore_mem>>)
        } else {
        }
        %parallel_loop3A = arith.constant 0 : i32
        %parallel_loop3A_81 = arith.constant 2000 : i32
        %parallel_loop3A_82 = arith.constant 16 : i32
        scf.for %parallel_loop3A_88 = %parallel_loop3A to %parallel_loop3A_81 step %parallel_loop3A_82  : i32 {
          %parallel_loop3A_89 = tpu.assume_multiple %parallel_loop3A_88, 16 : i32
          %parallel_loop3A_90 = arith.index_cast %parallel_loop3A_89 : i32 to index
          %parallel_loop3A_91 = tpu.vector_load %arg11[%parallel_loop3A_90] {strides = array<i32>} : memref<2000xi32, #tpu.memory_space<vmem>>, vector<16xi32>,
          %parallel_loop3A_92 = tpu.vector_load_idx %arg7[%parallel_loop3A_91] : memref<100096xi32, #tpu.memory_space<vmem>>[vector<16xi32>], vector<16xi32>,
          %parallel_loop3A_93 = arith.index_cast %parallel_loop3A_89 : i32 to index
          %parallel_loop3A_94 = tpu.vector_load %arg15[%parallel_loop3A_93] {strides = array<i32>} : memref<2000xi32, #tpu.memory_space<vmem>>, vector<16xi32>,
          %parallel_loop3A_95 = tpu.vector_load_idx %arg7[%parallel_loop3A_94] : memref<100096xi32, #tpu.memory_space<vmem>>[vector<16xi32>], vector<16xi32>,
          %parallel_loop3A_96 = arith.constant 16 : i32
          %parallel_loop3A_97 = vector.broadcast %parallel_loop3A_96 : i32 to vector<16xi32>
          %parallel_loop3A_98 = arith.shli %parallel_loop3A_92, %parallel_loop3A_97 : vector<16xi32>
          %parallel_loop3A_99 = vector.bitcast %parallel_loop3A_98 : vector<16xi32> to vector<16xf32>
          %parallel_loop3A_100 = arith.constant -65536 : i32
          %parallel_loop3A_101 = vector.broadcast %parallel_loop3A_100 : i32 to vector<16xi32>
          %parallel_loop3A_102 = arith.andi %parallel_loop3A_95, %parallel_loop3A_101 : vector<16xi32>
          %parallel_loop3A_103 = vector.bitcast %parallel_loop3A_102 : vector<16xi32> to vector<16xf32>
          %parallel_loop3A_104 = arith.addf %parallel_loop3A_99, %parallel_loop3A_103 : vector<16xf32>
          %parallel_loop3A_105 = arith.index_cast %parallel_loop3A_89 : i32 to index
          %parallel_loop3A_106 = tpu.vector_load %arg19[%parallel_loop3A_105] {strides = array<i32>} : memref<2000xf32, #tpu.memory_space<vmem>>, vector<16xf32>,
          %parallel_loop3A_107 = arith.mulf %get3A_22, %parallel_loop3A_106 : vector<16xf32>
          %parallel_loop3A_108 = arith.addf %parallel_loop3A_104, %parallel_loop3A_107 : vector<16xf32>
          %parallel_loop3A_109 = arith.constant 0.000000e+00 : f32
          %parallel_loop3A_110 = vector.broadcast %parallel_loop3A_109 : f32 to vector<16xf32>
          %parallel_loop3A_111 = arith.maximumf %parallel_loop3A_108, %parallel_loop3A_110 : vector<16xf32>
          %parallel_loop3A_112 = arith.index_cast %parallel_loop3A_89 : i32 to index
          %parallel_loop3A_113 = tpu.vector_load %arg19[%parallel_loop3A_112] {strides = array<i32>} : memref<2000xf32, #tpu.memory_space<vmem>>, vector<16xf32>,
          tpu.vector_store %arg19[%parallel_loop3A_112], %parallel_loop3A_111 {strides = array<i32>} : memref<2000xf32, #tpu.memory_space<vmem>>, vector<16xf32>,
        } {sc.loop_unroll_factor = 8 : i64, sc.parallel_access}
        %mul3A_83 = arith.constant 2000 : i32
        %mul3A_84 = arith.muli %scan3A_35, %mul3A_83 : i32
        %add3A_85 = arith.addi %mul3A_2, %mul3A_84 : i32
        %dma_start3A_86 = tpu.memref_slice %arg6[%add3A_85] : memref<3200000xf32, #tpu.memory_space<hbm>> -> memref<2000xf32, #tpu.memory_space<hbm>>
        %dma_start3A_87 = tpu.memref_slice %arg6[%add3A_85] : memref<3200000xf32, #tpu.memory_space<hbm>> -> memref<2000xf32, #tpu.memory_space<hbm>>
        tpu.enqueue_dma source(%arg19 : memref<2000xf32, #tpu.memory_space<vmem>>) target(%dma_start3A_87 : memref<2000xf32, #tpu.memory_space<hbm>>) target_semaphore(%arg28 : memref<!tpu.dma_semaphore, #tpu.memory_space<semaphore_mem>>)
      } else {
      }
    }
    %scan3A_27 = arith.constant 50 : i32
    %add3A_28 = arith.constant 96000 : i32
    %add3A_29 = arith.addi %mul3A_2, %add3A_28 : i32
    %dma_wait3A = tpu.memref_slice %arg6[%add3A_29] : memref<3200000xf32, #tpu.memory_space<hbm>> -> memref<2000xf32, #tpu.memory_space<hbm>>
    %dma_wait3A_30 = tpu.memref_slice %arg6[%add3A_29] : memref<3200000xf32, #tpu.memory_space<hbm>> -> memref<2000xf32, #tpu.memory_space<hbm>>
    tpu.wait_dma2 semaphore(%arg25 : memref<!tpu.dma_semaphore, #tpu.memory_space<semaphore_mem>>) src(%arg16 : memref<2000xf32, #tpu.memory_space<vmem>>) dst(%dma_wait3A_30 : memref<2000xf32, #tpu.memory_space<hbm>>)
    %add3A_31 = arith.constant 98000 : i32
    %add3A_32 = arith.addi %mul3A_2, %add3A_31 : i32
    %dma_wait3A_33 = tpu.memref_slice %arg6[%add3A_32] : memref<3200000xf32, #tpu.memory_space<hbm>> -> memref<2000xf32, #tpu.memory_space<hbm>>
    %dma_wait3A_34 = tpu.memref_slice %arg6[%add3A_32] : memref<3200000xf32, #tpu.memory_space<hbm>> -> memref<2000xf32, #tpu.memory_space<hbm>>
    tpu.wait_dma2 semaphore(%arg26 : memref<!tpu.dma_semaphore, #tpu.memory_space<semaphore_mem>>) src(%arg17 : memref<2000xf32, #tpu.memory_space<vmem>>) dst(%dma_wait3A_34 : memref<2000xf32, #tpu.memory_space<hbm>>)
    return
  }
}

module attributes {stable_mosaic.version = 14 : i64} {
  func.func @_pack_body(%arg0: memref<4x100096xf32, #tpu.memory_space<vmem>>, %arg1: memref<9x1xf32, #tpu.memory_space<vmem>>, %arg2: memref<1x1xf32, #tpu.memory_space<vmem>>, %arg3: memref<1x100096xi32, #tpu.memory_space<vmem>>) attributes {dimension_semantics = [], scalar_prefetch = 0 : i64, scratch_operands = 0 : i64, tpu.core_type = #tpu.core_type<tc>} {
    %get3A = arith.constant 0 : index
    %get3A_0 = arith.constant 0 : index
    %get3A_1 = vector.load %arg0[%get3A, %get3A_0] : memref<4x100096xf32, #tpu.memory_space<vmem>>, vector<4x100096xf32>
    %get3A_2 = arith.constant 0 : index
    %get3A_3 = arith.constant 0 : index
    %get3A_4 = vector.load %arg1[%get3A_2, %get3A_3] : memref<9x1xf32, #tpu.memory_space<vmem>>, vector<9x1xf32>
    %get3A_5 = arith.constant 0 : index
    %get3A_6 = arith.constant 0 : index
    %get3A_7 = vector.load %arg2[%get3A_5, %get3A_6] : memref<1x1xf32, #tpu.memory_space<vmem>>, vector<1x1xf32>
    %slice3A = vector.extract_strided_slice %get3A_1 {offsets = [0, 0], sizes = [1, 100096], strides = [1, 1]} : vector<4x100096xf32> to vector<1x100096xf32>
    %squeeze3A = vector.shape_cast %slice3A : vector<1x100096xf32> to vector<100096xf32>
    %slice3A_8 = vector.extract_strided_slice %get3A_4 {offsets = [0, 0], sizes = [1, 1], strides = [1, 1]} : vector<9x1xf32> to vector<1x1xf32>
    %squeeze3A_9 = vector.extract %slice3A_8[0, 0] : f32 from vector<1x1xf32>
    %mul3A = vector.broadcast %squeeze3A_9 : f32 to vector<100096xf32>
    %mul3A_10 = arith.mulf %squeeze3A, %mul3A : vector<100096xf32>
    %slice3A_11 = vector.extract_strided_slice %get3A_1 {offsets = [1, 0], sizes = [1, 100096], strides = [1, 1]} : vector<4x100096xf32> to vector<1x100096xf32>
    %squeeze3A_12 = vector.shape_cast %slice3A_11 : vector<1x100096xf32> to vector<100096xf32>
    %slice3A_13 = vector.extract_strided_slice %get3A_4 {offsets = [1, 0], sizes = [1, 1], strides = [1, 1]} : vector<9x1xf32> to vector<1x1xf32>
    %squeeze3A_14 = vector.extract %slice3A_13[0, 0] : f32 from vector<1x1xf32>
    %mul3A_15 = vector.broadcast %squeeze3A_14 : f32 to vector<100096xf32>
    %mul3A_16 = arith.mulf %squeeze3A_12, %mul3A_15 : vector<100096xf32>
    %add3A = arith.addf %mul3A_10, %mul3A_16 : vector<100096xf32>
    %slice3A_17 = vector.extract_strided_slice %get3A_1 {offsets = [2, 0], sizes = [1, 100096], strides = [1, 1]} : vector<4x100096xf32> to vector<1x100096xf32>
    %squeeze3A_18 = vector.shape_cast %slice3A_17 : vector<1x100096xf32> to vector<100096xf32>
    %slice3A_19 = vector.extract_strided_slice %get3A_4 {offsets = [2, 0], sizes = [1, 1], strides = [1, 1]} : vector<9x1xf32> to vector<1x1xf32>
    %squeeze3A_20 = vector.extract %slice3A_19[0, 0] : f32 from vector<1x1xf32>
    %mul3A_21 = vector.broadcast %squeeze3A_20 : f32 to vector<100096xf32>
    %mul3A_22 = arith.mulf %squeeze3A_18, %mul3A_21 : vector<100096xf32>
    %add3A_23 = arith.addf %add3A, %mul3A_22 : vector<100096xf32>
    %slice3A_24 = vector.extract_strided_slice %get3A_1 {offsets = [3, 0], sizes = [1, 100096], strides = [1, 1]} : vector<4x100096xf32> to vector<1x100096xf32>
    %squeeze3A_25 = vector.shape_cast %slice3A_24 : vector<1x100096xf32> to vector<100096xf32>
    %slice3A_26 = vector.extract_strided_slice %get3A_4 {offsets = [3, 0], sizes = [1, 1], strides = [1, 1]} : vector<9x1xf32> to vector<1x1xf32>
    %squeeze3A_27 = vector.extract %slice3A_26[0, 0] : f32 from vector<1x1xf32>
    %mul3A_28 = vector.broadcast %squeeze3A_27 : f32 to vector<100096xf32>
    %mul3A_29 = arith.mulf %squeeze3A_25, %mul3A_28 : vector<100096xf32>
    %add3A_30 = arith.addf %add3A_23, %mul3A_29 : vector<100096xf32>
    %squeeze3A_31 = vector.extract %get3A_7[0, 0] : f32 from vector<1x1xf32>
    %add3A_32 = vector.broadcast %squeeze3A_31 : f32 to vector<100096xf32>
    %add3A_33 = arith.addf %add3A_30, %add3A_32 : vector<100096xf32>
    %slice3A_34 = vector.extract_strided_slice %get3A_1 {offsets = [0, 0], sizes = [1, 100096], strides = [1, 1]} : vector<4x100096xf32> to vector<1x100096xf32>
    %squeeze3A_35 = vector.shape_cast %slice3A_34 : vector<1x100096xf32> to vector<100096xf32>
    %slice3A_36 = vector.extract_strided_slice %get3A_4 {offsets = [4, 0], sizes = [1, 1], strides = [1, 1]} : vector<9x1xf32> to vector<1x1xf32>
    %squeeze3A_37 = vector.extract %slice3A_36[0, 0] : f32 from vector<1x1xf32>
    %mul3A_38 = vector.broadcast %squeeze3A_37 : f32 to vector<100096xf32>
    %mul3A_39 = arith.mulf %squeeze3A_35, %mul3A_38 : vector<100096xf32>
    %slice3A_40 = vector.extract_strided_slice %get3A_1 {offsets = [1, 0], sizes = [1, 100096], strides = [1, 1]} : vector<4x100096xf32> to vector<1x100096xf32>
    %squeeze3A_41 = vector.shape_cast %slice3A_40 : vector<1x100096xf32> to vector<100096xf32>
    %slice3A_42 = vector.extract_strided_slice %get3A_4 {offsets = [5, 0], sizes = [1, 1], strides = [1, 1]} : vector<9x1xf32> to vector<1x1xf32>
    %squeeze3A_43 = vector.extract %slice3A_42[0, 0] : f32 from vector<1x1xf32>
    %mul3A_44 = vector.broadcast %squeeze3A_43 : f32 to vector<100096xf32>
    %mul3A_45 = arith.mulf %squeeze3A_41, %mul3A_44 : vector<100096xf32>
    %add3A_46 = arith.addf %mul3A_39, %mul3A_45 : vector<100096xf32>
    %slice3A_47 = vector.extract_strided_slice %get3A_1 {offsets = [2, 0], sizes = [1, 100096], strides = [1, 1]} : vector<4x100096xf32> to vector<1x100096xf32>
    %squeeze3A_48 = vector.shape_cast %slice3A_47 : vector<1x100096xf32> to vector<100096xf32>
    %slice3A_49 = vector.extract_strided_slice %get3A_4 {offsets = [6, 0], sizes = [1, 1], strides = [1, 1]} : vector<9x1xf32> to vector<1x1xf32>
    %squeeze3A_50 = vector.extract %slice3A_49[0, 0] : f32 from vector<1x1xf32>
    %mul3A_51 = vector.broadcast %squeeze3A_50 : f32 to vector<100096xf32>
    %mul3A_52 = arith.mulf %squeeze3A_48, %mul3A_51 : vector<100096xf32>
    %add3A_53 = arith.addf %add3A_46, %mul3A_52 : vector<100096xf32>
    %slice3A_54 = vector.extract_strided_slice %get3A_1 {offsets = [3, 0], sizes = [1, 100096], strides = [1, 1]} : vector<4x100096xf32> to vector<1x100096xf32>
    %squeeze3A_55 = vector.shape_cast %slice3A_54 : vector<1x100096xf32> to vector<100096xf32>
    %slice3A_56 = vector.extract_strided_slice %get3A_4 {offsets = [7, 0], sizes = [1, 1], strides = [1, 1]} : vector<9x1xf32> to vector<1x1xf32>
    %squeeze3A_57 = vector.extract %slice3A_56[0, 0] : f32 from vector<1x1xf32>
    %mul3A_58 = vector.broadcast %squeeze3A_57 : f32 to vector<100096xf32>
    %mul3A_59 = arith.mulf %squeeze3A_55, %mul3A_58 : vector<100096xf32>
    %add3A_60 = arith.addf %add3A_53, %mul3A_59 : vector<100096xf32>
    %convert_element_type3A = arith.truncf %add3A_33 : vector<100096xf32> to vector<100096xbf16>
    %bitcast_convert_type3A = tpu.bitcast %convert_element_type3A : vector<100096xbf16> -> vector<100096xi16>
    %convert_element_type3A_61 = arith.truncf %add3A_60 : vector<100096xf32> to vector<100096xbf16>
    %bitcast_convert_type3A_62 = tpu.bitcast %convert_element_type3A_61 : vector<100096xbf16> -> vector<100096xi16>
    %convert_element_type3A_63 = arith.extui %bitcast_convert_type3A : vector<100096xi16> to vector<100096xi32>
    %convert_element_type3A_64 = arith.extui %bitcast_convert_type3A_62 : vector<100096xi16> to vector<100096xi32>
    %shift_left3A = arith.constant 16 : i32
    %shift_left3A_65 = vector.broadcast %shift_left3A : i32 to vector<100096xi32>
    %shift_left3A_66 = arith.shli %convert_element_type3A_64, %shift_left3A_65 : vector<100096xi32>
    %or3A = arith.ori %convert_element_type3A_63, %shift_left3A_66 : vector<100096xi32>
    %bitcast_convert_type3A_67 = tpu.bitcast %or3A : vector<100096xi32> -> vector<100096xi32>
    %broadcast_in_dim3A = vector.shape_cast %bitcast_convert_type3A_67 : vector<100096xi32> to vector<1x100096xi32>
    %swap3A = arith.constant 0 : index
    %swap3A_68 = arith.constant 0 : index
    %swap3A_69 = vector.load %arg3[%swap3A, %swap3A_68] : memref<1x100096xi32, #tpu.memory_space<vmem>>, vector<1x100096xi32>
    tpu.vector_store %arg3[%swap3A, %swap3A_68], %broadcast_in_dim3A {strides = array<i32>} : memref<1x100096xi32, #tpu.memory_space<vmem>>, vector<1x100096xi32>,
    return
  }
}

</mosaic_0001>

<sc_bundles>
// kernel: kernel.4.cloned.1.call-start
scs
__scs_entry_jumppad:
0x0: {  	(pc) =	sbr.rel $0x88, $3  }
0x1: {  	(tag) =	ssettag $0x0;
	lr =	simm.s32 $0x1  }
0x2: {  	[smem:$0x3F9C] =	sst lr;
	_ =	strace $0xD0000000  }
0x3: {  	_ = 	snop  }
0x4: {  	_ = 	snop  }
0x5: {  	_ = 	snop  }
0x6: {  	_ = 	snop  }
0x7: {  	_ = 	snop  }
__scs_overlays_trampoline_lowered:
0x8: {  	[smem:$0x3FAB] =	sst s0  }
0x9: {  	[smem:$0x3FAC] =	sst s1  }
0xa: {  	[smem:$0x3FAD] =	sst s2  }
0xb: {  	[smem:$0x3FAE] =	sst s3  }
0xc: {  	[smem:$0x3FAF] =	sst s4  }
0xd: {  	[smem:$0x3FB0] =	sst s5  }
0xe: {  	[smem:$0x3FB1] =	sst s6  }
0xf: {  	[smem:$0x3FB2] =	sst s7  }
0x10: {  	[smem:$0x3FB3] =	sst s8  }
0x11: {  	[smem:$0x3FB4] =	sst s9;
	s0 =	simm.s32 @!p0 $0x0  }
0x12: {  	s1 =	sld [smem:$0x3F9A];
	s0 =	simm.s32 @p0 $0x1  }
0x13: {  	[smem:$0x3FB5] =	sst s0;
	s0 =	simm.s32 @!p1 $0x0  }
0x14: {  	s2 =	sld [smem:$0x3F99];
	s0 =	simm.s32 @p1 $0x1  }
0x15: {  	[smem:$0x3FB6] =	sst s0;
	s0 =	simm.s32 @!p2 $0x0  }
0x16: {  	s3 =	sld [smem:$0x3FDB];
	s0 =	simm.s32 @p2 $0x1  }
0x17: {  	s4 =	simm.s32 $0x1BF5;
	[smem:$0x3FB8] =	sst s0  }
0x18: {  	s0 =	sld [smem:$0x3F9B];
	_ =	swait.ge [sflag:s4], $0x0  }
0x19: {  	s7 =	sld [smem:$0x3F9C]  }
0x1a: {  	s8 =	sadd.s32 $0xFFFFE003, lr  }
0x1b: {  	s9 =	sadd.s32 $0xFFFFFEF7, lr;
	s5 =	simm.s32 $0xFFFFFFFF;
	p2 =	slt.u32 s8, $0xFFFFF086  }
0x1c: {  	p1 =	slt.u32 s9, $0xF7A;
	s5 =	simm.s32 @!p2 $0x0  }
0x1d: {  	s5 =	simm.s32 @p1 $0x1;
	p0 =	seq.s32 s7, s2  }
0x1e: {  	s7 =	smul.u32 @!p0 $0xF7A, s2;
	p2 =	seq.s32 @!p0 s5, $0x0  }
0x1f: {  	s9 =	smul.u32 $0xF7A, s1;
	s8 =	simm.s32 @!p0 $0x1BF5;
	p2 =	por !p2, p0  }
0x20: {  	[sflag:s8] =	ssyncset.s32 @!p0 $0xFFFFF086;
	s6 =	sadd.s32 @!p0 s3, s7;
	s7 =	simm.s32 @!p0 $0x108  }
0x21: {  	s3 =	sadd.s32 s3, s9;
	s6 =	sadd.s32 @!p0 $0x88, s6;
	s7 =	simm.s32 @p2 $0x1082  }
0x22: {  	[simem:s7], [sflag:s8] =	dma.local @!p0 [hbm:s6], $0xF7A  }
0x23: {  	s9 =	sor.u32 $0xD0000000, s2;
	s6 =	simm.s32 $0x108;
	_ =	swait.ge @!p0 [sflag:s8], $0x0  }
0x24: {  	s3 =	sadd.s32 $0x88, s3;
	s6 =	simm.s32 @!p1 $0x1082;
	[sflag:s4] =	ssyncset.s32 $0xFFFFF086  }
0x25: {  	[simem:s6], [sflag:s4] =	dma.local [hbm:s3], $0xF7A  }
0x26: {  	[smem:$0x3F9C] =	sst s1;
	(tag) =	ssettag s2;
	_ =	strace s9  }
0x27: {  	s1 =	sld [smem:$0x3FAC]  }
0x28: {  	s2 =	sld [smem:$0x3FAD]  }
0x29: {  	s4 =	sld [smem:$0x3FAF]  }
0x2a: {  	p0 =	seq.s32 s5, $0x0;
	s5 =	sld [smem:$0x3FB0]  }
0x2b: {  	s6 =	sld [smem:$0x3FB1]  }
0x2c: {  	s7 =	sld [smem:$0x3FB2]  }
0x2d: {  	s3 =	simm.s32 $0x108;
	s8 =	sld [smem:$0x3FB3]  }
0x2e: {  	s3 =	simm.s32 @!p0 $0x1082;
	s9 =	sld [smem:$0x3FB4]  }
0x2f: {  	lr =	sadd.s32 s0, s3;
	s0 =	sld [smem:$0x3FAB]  }
0x30: {  	s3 =	sld [smem:$0x3FAE]  }
0x31: {  	[smem:$0x3FB7] =	sst s10  }
0x32: {  	s10 =	sld [smem:$0x3FB5];
	_ =	sdelay $0x3  }
0x33: {  	p0 =	seq.s32 s10, $0x1;
	s10 =	sld [smem:$0x3FB7];
	_ =	sdelay $0x3  }
0x34: {  	[smem:$0x3FB7] =	sst s10  }
0x35: {  	s10 =	sld [smem:$0x3FB6];
	_ =	sdelay $0x3  }
0x36: {  	p1 =	seq.s32 s10, $0x1;
	s10 =	sld [smem:$0x3FB7];
	_ =	sdelay $0x3  }
0x37: {  	[smem:$0x3FB7] =	sst s10  }
0x38: {  	s10 =	sld [smem:$0x3FB8]  }
0x39: {  	_ = 	snop;
	(pc) =	sbr.ind lr, $3  }
0x3a: {  	_ = 	snop  }
0x3b: {  	_ = 	snop  }
0x3c: {  	p2 =	seq.s32 s10, $0x1;
	s10 =	sld [smem:$0x3FB7]  }
0x3d: {  	_ =	shalt  }
0x3e: {  	_ =	shalt  }
0x3f: {  	_ =	shalt  }
0x40: {  	_ =	shalt  }
0x41: {  	_ =	shalt  }
0x42: {  	_ =	shalt  }
0x43: {  	_ =	shalt  }
0x44: {  	_ =	shalt  }
0x45: {  	_ =	shalt  }
0x46: {  	_ =	shalt  }
0x47: {  	_ =	shalt  }
0x48: {  	_ =	shalt  }
0x49: {  	_ =	shalt  }
0x4a: {  	_ =	shalt  }
0x4b: {  	_ =	shalt  }
0x4c: {  	_ =	shalt  }
0x4d: {  	_ =	shalt  }
0x4e: {  	_ =	shalt  }
0x4f: {  	_ =	shalt  }
0x50: {  	_ =	shalt  }
0x51: {  	_ =	shalt  }
0x52: {  	_ =	shalt  }
0x53: {  	_ =	shalt  }
0x54: {  	_ =	shalt  }
0x55: {  	_ =	shalt  }
0x56: {  	_ =	shalt  }
0x57: {  	_ =	shalt  }
0x58: {  	_ =	shalt  }
0x59: {  	_ =	shalt  }
0x5a: {  	_ =	shalt  }
0x5b: {  	_ =	shalt  }
0x5c: {  	_ =	shalt  }
0x5d: {  	_ =	shalt  }
0x5e: {  	_ =	shalt  }
0x5f: {  	_ =	shalt  }
0x60: {  	_ =	shalt  }
0x61: {  	_ =	shalt  }
0x62: {  	_ =	shalt  }
0x63: {  	_ =	shalt  }
0x64: {  	_ =	shalt  }
0x65: {  	_ =	shalt  }
0x66: {  	_ =	shalt  }
0x67: {  	_ =	shalt  }
0x68: {  	_ =	shalt  }
0x69: {  	_ =	shalt  }
0x6a: {  	_ =	shalt  }
0x6b: {  	_ =	shalt  }
0x6c: {  	_ =	shalt  }
0x6d: {  	_ =	shalt  }
0x6e: {  	_ =	shalt  }
0x6f: {  	_ =	shalt  }
0x70: {  	_ =	shalt  }
0x71: {  	_ =	shalt  }
0x72: {  	_ =	shalt  }
0x73: {  	_ =	shalt  }
0x74: {  	_ =	shalt  }
0x75: {  	_ =	shalt  }
0x76: {  	_ =	shalt  }
0x77: {  	_ =	shalt  }
0x78: {  	_ =	shalt  }
0x79: {  	_ =	shalt  }
0x7a: {  	_ =	shalt  }
0x7b: {  	_ =	shalt  }
0x7c: {  	_ =	shalt  }
0x7d: {  	_ =	shalt  }
0x7e: {  	_ =	shalt  }
0x7f: {  	_ =	shalt  }
0x80: {  	_ =	shalt  }
0x81: {  	_ =	shalt  }
0x82: {  	_ =	shalt  }
0x83: {  	_ =	shalt  }
0x84: {  	_ =	shalt  }
0x85: {  	_ =	shalt  }
0x86: {  	_ =	shalt  }
0x87: {  	_ =	shalt  }
.Lfunc_end0:
.L_simem_size_0:
called_computation_lowered:
.L_overlay_start_0:
0x88: {  	s2 =	sld [smem:$0x3FD9]  }
0x89: {  	s3 =	sld [smem:$0x3FFE];
	_ =	sdelay $0x1  }
0x8a: {  	s1 =	srdreg.scid  }
0x8b: {  	s0 =	sand.u32 $0x1, s1  }
0x8c: {  	s17 =	sshll.u32 s0, $0xA;
	s2 =	sadd.s32 s3, s2  }
0x8d: {  	s2 =	sadd.s32 s2, s17  }
0x8e: {  	[smem:$0x3FC3] =	sst s2  }
0x8f: {  	_ = 	snop  }
0x90: {  	s2 =	sld [smem:$0x3FC7]  }
0x91: {  	s18 =	sld [smem:$0x3FD0];
	(tm) =	ssettm $0x1  }
0x92: {  	s4 =	sld [smem:$0x3FFB];
	_ =	sdelay $0x3  }
0x93: {  	_ =	strace s4  }
0x94: {  	s4 =	sld [smem:$0x3FFC];
	_ =	sdelay $0x3  }
0x95: {  	_ =	strace s4  }
0x96: {  	s4 =	sld [smem:$0x3FFD];
	_ =	sdelay $0x3  }
0x97: {  	_ =	strace s4  }
0x98: {  	_ =	strace $0x8FFFFFFF  }
0x99: {  	s19 =	sld [smem:$0x3FDB];
	_ =	sdelay $0x1  }
0x9a: {  	s5 =	simm.s32 $_scs_section_size  }
0x9b: {  	s6 =	simm.s32 $_size__tile_overlayer_lowered;
	s7 =	simm.s32 $_tile_overlayer_lowered  }
0x9c: {  	s22 =	simm.s32 $0x1BFF;
	s21 =	sshll.u32 s7, $0x1;
	s4 =	sadd.s32 s5, s19  }
0x9d: {  	s8 =	simm.s32 $0x0;
	s20 =	sshll.u32 s6, $0x1;
	s6 =	sadd.s32 s21, s4  }
0x9e: {  	[timem:s8], [sflag:s22] =	dma.local [hbm:s6], s20  }
0x9f: {  	_ =	swait.ge [sflag:s22], s20  }
0xa0: {  	s5 =	ssub.s32 $0x0, s20;
	[sflag:s22] =	ssyncset.done $0x0  }
0xa1: {  	[sflag:s22] =	ssyncadd.s32 s5;
	_ =	sdelay $0x1  }
0xa2: {  	s23 =	simm.s32 $0x1B8B  }
0xa3: {  	_ =	swait.ge [sflag:s23], $0x1  }
0xa4: {  	[sflag:s23] =	ssyncset.done $0x0  }
0xa5: {  	s25 =	simm.s32 $0x1B8E;
	s24 =	sld [smem:$0x3FFE];
	[sflag:s23] =	ssyncadd.s32 $0xFFFFFFFF  }
0xa6: {  	s26 =	simm.s32 $execute0_lowered;
	[smem:$0x3FD2] =	sst s25  }
0xa7: {  	s6 =	sshll.u32 s26, $0x1;
	_ =	strace $0x80000046;
	[dreg:$0x1] =	wrdreg $0xFFFFFFFF  }
0xa8: {  	s28 =	simm.s32 $_size_execute0_lowered;
	s4 =	sadd.s32 s4, s6;
	[dreg:$0x0] =	wrdreg $0x0  }
0xa9: {  	s6 =	sshll.u32 s28, $0x1;
	[dreg:$0x2] =	wrdreg s4  }
0xaa: {  	[dreg:$0x3] =	wrdreg s6  }
0xab: {  	[dreg:$0x4] =	wrdreg $0xC0  }
0xac: {  	_ =	task [dreg:s8], $0x5FFFF  }
0xad: {  	[dreg:$0x1] =	wrdreg $0xFFFFFFFF  }
0xae: {  	[dreg:$0x0] =	wrdreg $0x60  }
0xaf: {  	[dreg:$0x2] =	wrdreg s24  }
0xb0: {  	[dreg:$0x3] =	wrdreg s2  }
0xb1: {  	[dreg:$0x4] =	wrdreg s18  }
0xb2: {  	[dreg:$0x5] =	wrdreg $0x9  }
0xb3: {  	_ =	task.clear_ibuf [dreg:s8], $0x6FFFF;
	_ =	strace $0x90000046  }
0xb4: {  	s29 =	simm.s32 $0x9;
	_ =	strace $0x80000048  }
0xb5: {  	_ =	swait.ge [sflag:s29], $0x1  }
0xb6: {  	[sflag:s29] =	ssyncadd.s32 $0xFFFFFFFF  }
0xb7: {  	_ =	strace $0x90000048  }
0xb8: {  	_ =	sfence  }
0xb9: {  	s30 =	sld [smem:$0x0];
	_ =	sdelay $0x2  }
0xba: {  	s31 =	sshll.u32 s1, $0xD;
	s1 =	sshrl.u32 s1, $0x2  }
0xbb: {  	s3 =	sand.u32 $0x4000, s31;
	s1 =	sadd.s32 s1, s30  }
0xbc: {  	s0 =	sor.u32 s3, s0;
	s1 =	sshll.u32 s1, $0x11  }
0xbd: {  	s0 =	sor.u32 s1, s0  }
0xbe: {  	s0 =	sadd.s32 $0x8F2B, s0  }
0xbf: {  	[sflag:s0] =	ssyncadd.remote.s32 $0x1  }
0xc0: {  	_ =	sfence.sel $0xFFFF  }
0xc1: {  	[dreg:$0x0] =	wrdreg $0xFFFFFFFF;
	(pc) =	sbr.abs _section_cstart, $3  }
0xc2: {  	[dreg:$0x1] =	wrdreg $0xFFFFFFFF  }
0xc3: {  	_ =	task.clear_ibuf [dreg:s8], $0x2FFFF;
	_ =	strace $0x9FFFFFFF  }
0xc4: {  	(tm) =	ssettm $0x7FFFFFFF  }
0xc5: {  	_ =	shalt  }
tec
execute0_lowered:
.L_overlay_start_1:
0x0: {  	(tag) =	ssettag $0x1  }
0x1: {  	s0 =	rddreg [dreg:$0x0]  }
0x2: {  	s2 =	rddreg [dreg:$0x1];
	s1 =	srdreg.scid  }
0x3: {  	s4 =	stileid.u32;
	s3 =	rddreg [dreg:$0x2]  }
0x4: {  	s17 =	simm.s32 $0x18700;
	s18 =	simm.s32 $0x1A700;
	s19 =	simm.s32 $0x1C700  }
0x5: {  	s20 =	simm.s32 $0x18F00;
	s21 =	simm.s32 $0x1AF00;
	s22 =	simm.s32 $0x1CF00  }
0x6: {  	s29 =	simm.s32 $0x1D700;
	s30 =	simm.s32 $0x2;
	s10 =	simm.s32 $0x4  }
0x7: {  	s11 =	simm.s32 $0x0;
	s1 =	sand.u32 $0x1, s1;
	s5 =	sshll.u32 s4, $0x1  }
0x8: {  	s4 =	simm.s32 $0x0;
	s6 =	sadd.s32 $0xC3800, s0;
	s7 =	sadd.s32 $0x200, s0  }
0x9: {  	s0 =	sadd.s32 $0xC6A00, s0;
	s5 =	sor.u32 s1, s5;
	s1 =	ssub.s32 $0x2, s1  }
0xa: {  	[smem:$0x7FF] =	sst s4;
	s5 =	smul.u32 $0x186A0, s5;
	s24 =	sshrl.u32 s1, $0x1  }
0xb: {  	_ =	strace $0x80000047;
	[dreg:$0x5] =	wrdreg s0;
	s0 =	ssub.s32 s1, s24  }
0xc: {  	[dreg:$0x4] =	wrdreg s6;
	s23 =	sshrl.u32 s5, $0x3;
	s0 =	smax.u32 s0, $0x1  }
0xd: {  	s15 =	sadd.s32 $0xFA0, s5;
	s6 =	sadd.s32 s2, s23;
	[dreg:$0xc] =	wrdreg s0  }
0xe: {  	s8 =	sadd.s32 s7, s23;
	s26 =	sadd.s32 $0xFA, s23;
	[dreg:$0x8] =	wrdreg s6  }
.Ltmp0:
0xf: {  	s25 =	sadd.s32 $0x61A80, s8;
	[dreg:$0x6] =	wrdreg s8;
	(pc) =	sbr.rel .LBB2_1-.Ltmp0, $4  }
0x10: {  	s23 =	simm.s32 $0x9;
	s28 =	sadd.s32 s7, s26;
	[dreg:$0x7] =	wrdreg s25  }
0x11: {  	s0 =	simm.s32 $0x1DF00;
	s31 =	sadd.s32 $0x61B7A, s8;
	[dreg:$0x9] =	wrdreg s28  }
0x12: {  	s1 =	sadd.s32 s2, s26;
	s8 =	simm.s32 $0x3;
	[dreg:$0xa] =	wrdreg s31  }
0x13: {  	[dreg:$0xb] =	wrdreg s1;
	s25 =	simm.s32 $0x1;
	s1 =	simm.s32 $0x1BF00  }
.LBB2_26:
0x14: {  	s6 =	simm.s32 $0x5  }
0x15: {  	_ =	swait.ge [sflag:s6], $0x7D0  }
0x16: {  	[sflag:s6] =	ssyncset.done $0x0  }
0x17: {  	s9 =	simm.s32 $0x6;
	[sflag:s6] =	ssyncadd.s32 $0xFFFFF830  }
0x18: {  	_ =	swait.ge [sflag:s9], $0x7D0  }
0x19: {  	s11 =	sadd.s32 $0x1, s11;
	s31 =	rddreg [dreg:$0xc]  }
0x1a: {  	p0 =	sne.s32 s11, s31  }
.Ltmp1:
0x1b: {  	_ = 	snop;
	(pc) =	sbr.rel @!p0 .LBB2_27-.Ltmp1, $3  }
0x1c: {  	_ =	sdelay $0x1  }
0x1d: {  	[sflag:s9] =	ssyncset.done $0x0  }
0x1e: {  	[sflag:s9] =	ssyncadd.s32 $0xFFFFF830  }
.LBB2_1:
0x1f: {  	s6 =	rddreg [dreg:$0x6]  }
0x20: {  	[tilespmem:s17], [sflag:$0x1] =	stream.linear.gather [hbm4b:s6+s4], $0x7D0, $0x38;
	[tilespmem:$0x1E780] =	vst v63  }
0x21: {  	s13 =	rddreg [dreg:$0x7]  }
0x22: {  	[tilespmem:s18], [sflag:$0x1] =	stream.linear.gather [hbm4b:s13+s4], $0x7D0, $0x38;
	[tilespmem:$0x1E780] =	vst v63  }
0x23: {  	s14 =	rddreg [dreg:$0x8]  }
0x24: {  	[tilespmem:s19], [sflag:$0x1] =	stream.linear.gather [hbm4b:s14+s4], $0x7D0, $0x38;
	[tilespmem:$0x1E780] =	vst v63  }
0x25: {  	s16 =	rddreg [dreg:$0x9]  }
0x26: {  	[tilespmem:s20], [sflag:$0x2] =	stream.linear.gather [hbm4b:s16+s4], $0x7D0, $0x38;
	[tilespmem:$0x1E780] =	vst v63  }
0x27: {  	s24 =	rddreg [dreg:$0xa]  }
0x28: {  	[tilespmem:s21], [sflag:$0x2] =	stream.linear.gather [hbm4b:s24+s4], $0x7D0, $0x38;
	[tilespmem:$0x1E780] =	vst v63  }
0x29: {  	s26 =	rddreg [dreg:$0xb]  }
0x2a: {  	[tilespmem:s22], [sflag:$0x2] =	stream.linear.gather [hbm4b:s26+s4], $0x7D0, $0x38;
	[tilespmem:$0x1E780] =	vst v63  }
0x2b: {  	s28 =	rddreg [dreg:$0x4]  }
0x2c: {  	[tilespmem:s4], [sflag:$0x9] =	stream.linear.gather [hbm4b:s28+s4], $0x18700, $0x38;
	[tilespmem:$0x1E780] =	vst v63  }
0x2d: {  	_ =	swait.ge [sflag:s23], $0x18700  }
0x2e: {  	[sflag:s23] =	ssyncset.done $0x0  }
0x2f: {  	s9 =	simm.s32 $0x1E700;
	s31 =	rddreg [dreg:$0x5];
	[sflag:s23] =	ssyncadd.s32 $0xFFFE7900  }
0x30: {  	[tilespmem:s9], [sflag:$0x9] =	stream.linear.gather [hbm4b:s31+s4], $0x80, $0x38;
	[tilespmem:$0x1E780] =	vst v63  }
0x31: {  	_ =	swait.ge [sflag:s23], $0x80  }
0x32: {  	[sflag:s23] =	ssyncset.done $0x0  }
0x33: {  	[sflag:s23] =	ssyncadd.s32 $0xFFFFFF80  }
.Ltmp2:
0x34: {  	v0 =	vld [tilespmem:$0x1E700];
	(pc) =	sbr.rel .LBB2_2-.Ltmp2, $2  }
0x35: {  	_ =	sdelay $0x2  }
0x36: {  	s12 =	simm.s32 $0x0  }
.LBB2_25:
0x37: {  	s12 =	sadd.s32 $0x1, s12  }
0x38: {  	p0 =	sne.s32 s12, $0x32  }
.Ltmp3:
0x39: {  	_ = 	snop;
	(pc) =	sbr.rel @!p0 .LBB2_26-.Ltmp3, $1  }
0x3a: {  	_ =	sdelay $0x3  }
.LBB2_2:
0x3b: {  	s9 =	sand.u32 $0x3, s12  }
0x3c: {  	p0 =	sgt.s32 s9, $0x1  }
.Ltmp4:
0x3d: {  	_ = 	snop;
	(pc) =	sbr.rel @p0 .LBB2_19-.Ltmp4, $3  }
0x3e: {  	_ = 	snop  }
0x3f: {  	s6 =	smul.u32 $0x7D0, s12;
	_ =	sdelay $0x1  }
0x40: {  	s13 =	sadd.s32 s5, s6  }
0x41: {  	p0 =	seq.s32 s9, $0x0  }
.Ltmp5:
0x42: {  	_ = 	snop;
	(pc) =	sbr.rel @!p0 .LBB2_9-.Ltmp5, $1  }
0x43: {  	_ =	sdelay $0x3  }
0x44: {  	_ =	swait.ge [sflag:s25], $0x7D0  }
0x45: {  	[sflag:s25] =	ssyncset.done $0x0  }
0x46: {  	[sflag:s25] =	ssyncadd.s32 $0xFFFFF830  }
0x47: {  	_ =	swait.ge [sflag:s25], $0x7D0  }
0x48: {  	[sflag:s25] =	ssyncset.done $0x0  }
0x49: {  	[sflag:s25] =	ssyncadd.s32 $0xFFFFF830  }
0x4a: {  	p0 =	slt.u32 s12, $0x2;
	_ =	swait.ge [sflag:s25], $0x7D0  }
0x4b: {  	p1 =	sgt.u32 @!p0 s12, $0x2F;
	[sflag:s25] =	ssyncset.done $0x0  }
0x4c: {  	s9 =	simm.s32 @!p0 $0x7;
	p1 =	por p0, !p1;
	[sflag:s25] =	ssyncadd.s32 $0xFFFFF830  }
0x4d: {  	s6 =	sadd.s32 @p1 s6, s15;
	_ =	swait.ge @!p0 [sflag:s9], $0x7D0  }
0x4e: {  	s6 =	sshrl.u32 @p1 s6, $0x3;
	[sflag:s9] =	ssyncset.done @!p0 $0x0  }
0x4f: {  	s14 =	simm.s32 @p1 $0x19700;
	[sflag:s9] =	ssyncadd.s32 @!p0 $0xFFFFF830;
	s9 =	sadd.s32 @p1 s7, s6  }
0x50: {  	[tilespmem:s14], [sflag:$0x3] =	stream.linear.gather @p1 [hbm4b:s9+s4], $0x7D0, $0x38;
	[tilespmem:$0x1E780] =	vst v63  }
0x51: {  	s9 =	sadd.s32 @p1 $0x61A80, s9;
	s14 =	simm.s32 @p1 $0x1B700  }
0x52: {  	[tilespmem:s14], [sflag:$0x3] =	stream.linear.gather @p1 [hbm4b:s9+s4], $0x7D0, $0x38;
	[tilespmem:$0x1E780] =	vst v63  }
0x53: {  	s26 =	simm.s32 $0x18740;
	s6 =	sadd.s32 @p1 s2, s6  }
0x54: {  	[tilespmem:s29], [sflag:$0x3] =	stream.linear.gather @p1 [hbm4b:s6+s4], $0x7D0, $0x38;
	[tilespmem:$0x1E780] =	vst v63  }
0x55: {  	s16 =	simm.s32 $0x1A740;
	v1 =	vld [tilespmem:s26+$0x30]  }
0x56: {  	v2 =	vld [tilespmem:s16+$0x30]  }
0x57: {  	v3 =	vld [tilespmem:s16+$0xFFFFFFC0]  }
0x58: {  	v4 =	vld [tilespmem:s26+$0xFFFFFFD0]  }
0x59: {  	v5 =	vld [tilespmem:s16+$0xFFFFFFD0]  }
0x5a: {  	v6 =	vld [tilespmem:s26+$0xFFFFFFE0]  }
0x5b: {  	v7 =	vld [tilespmem:s16+$0xFFFFFFE0]  }
0x5c: {  	v8 =	vld [tilespmem:s26+$0xFFFFFFF0]  }
0x5d: {  	s14 =	simm.s32 $0x1C740;
	v9 =	vld [tilespmem:s16+$0xFFFFFFF0]  }
0x5e: {  	v10 =	vld [tilespmem:s14+$0x30]  }
0x5f: {  	v11 =	vld [tilespmem:s26+$0x0]  }
0x60: {  	v12 =	vld [tilespmem:s16+$0x0]  }
0x61: {  	v13 =	vld [tilespmem:s26+$0x10]  }
0x62: {  	v14 =	vld [tilespmem:s16+$0x10]  }
0x63: {  	v15 =	vld [tilespmem:s26+$0x20]  }
0x64: {  	v16 =	vld [tilespmem:s16+$0x20]  }
0x65: {  	v17 =	vld [tilespmem:s26+$0xFFFFFFC0]  }
0x66: {  	v1 =	vld.idx.msk [tilespmem:v1+s4+$0x0], $0xffff  }
0x67: {  	v2 =	vld.idx.msk [tilespmem:v2+s4+$0x0], $0xffff  }
0x68: {  	v3 =	vld.idx.msk [tilespmem:v3+s4+$0x0], $0xffff  }
0x69: {  	v4 =	vld.idx.msk [tilespmem:v4+s4+$0x0], $0xffff  }
0x6a: {  	v5 =	vld.idx.msk [tilespmem:v5+s4+$0x0], $0xffff  }
0x6b: {  	v6 =	vld.idx.msk [tilespmem:v6+s4+$0x0], $0xffff  }
0x6c: {  	v7 =	vld.idx.msk [tilespmem:v7+s4+$0x0], $0xffff  }
0x6d: {  	v8 =	vld.idx.msk [tilespmem:v8+s4+$0x0], $0xffff  }
0x6e: {  	v9 =	vld.idx.msk [tilespmem:v9+s4+$0x0], $0xffff  }
0x6f: {  	v17 =	vld.idx.msk [tilespmem:v17+s4+$0x0], $0xffff  }
0x70: {  	v11 =	vld.idx.msk [tilespmem:v11+s4+$0x0], $0xffff;
	v1 =	vshll.u32 v1, $0x10;
	v2 =	vand.u32 $0xFFFF0000, v2  }
0x71: {  	v12 =	vld.idx.msk [tilespmem:v12+s4+$0x0], $0xffff;
	v1 =	vadd.f32 v2, v1;
	v2 =	vmul.f32 v10, v0  }
0x72: {  	v13 =	vld.idx.msk [tilespmem:v13+s4+$0x0], $0xffff  }
0x73: {  	v14 =	vld.idx.msk [tilespmem:v14+s4+$0x0], $0xffff;
	v1 =	vadd.f32 v1, v2  }
0x74: {  	v15 =	vld.idx.msk [tilespmem:v15+s4+$0x0], $0xffff;
	v2 =	vand.u32 $0xFFFF0000, v5  }
0x75: {  	v16 =	vld.idx.msk [tilespmem:v16+s4+$0x0], $0xffff;
	v5 =	vshll.u32 v8, $0x10;
	v18 =	vmax.f32 v1, $0.0e+00;
	v1 =	vshll.u32 v4, $0x10  }
0x76: {  	v8 =	vshll.u32 v17, $0x10;
	v1 =	vadd.f32 v2, v1;
	v2 =	vshll.u32 v6, $0x10;
	v6 =	vld [tilespmem:s14+$0xFFFFFFC0]  }
0x77: {  	v19 =	vld [tilespmem:s14+$0xFFFFFFD0];
	v4 =	vand.u32 $0xFFFF0000, v3;
	v3 =	vand.u32 $0xFFFF0000, v7;
	v7 =	vand.u32 $0xFFFF0000, v9  }
0x78: {  	v10 =	vld [tilespmem:s14+$0xFFFFFFE0];
	v9 =	vand.u32 $0xFFFF0000, v14;
	v2 =	vadd.f32 v3, v2;
	v3 =	vadd.f32 v7, v5  }
0x79: {  	v7 =	vadd.f32 v4, v8;
	v4 =	vshll.u32 v11, $0x10;
	v5 =	vand.u32 $0xFFFF0000, v12;
	v11 =	vld [tilespmem:s14+$0xFFFFFFF0]  }
0x7a: {  	v8 =	vld [tilespmem:s14+$0x0];
	v12 =	vshll.u32 v15, $0x10;
	v4 =	vadd.f32 v5, v4;
	v5 =	vshll.u32 v13, $0x10  }
0x7b: {  	s28 =	simm.s32 $0x0;
	s24 =	simm.s32 $0x770;
	s31 =	simm.s32 $0x187C0;
	v15 =	vand.u32 $0xFFFF0000, v16;
	v5 =	vadd.f32 v9, v5;
	v9 =	vld [tilespmem:s14+$0x10];
	v14 =	vmul.f32 v6, v0  }
0x7c: {  	s9 =	simm.s32 $0x18E80;
	s6 =	simm.s32 $0x1CE80;
	s26 =	simm.s32 $0x1AE80;
	[tilespmem:s14+$0x30] =	vst v18;
	v13 =	vmul.f32 v19, v0;
	v6 =	vadd.f32 v15, v12;
	v12 =	vld [tilespmem:s14+$0x20]  }
.LBB2_5:
0x7d: {  	v15 =	vld [tilespmem:s31+$0x30];
	v7 =	vadd.f32 v7, v14;
	v10 =	vmul.f32 v10, v0;
	s16 =	sadd.s32 $0x80, s16  }
0x7e: {  	s28 =	sadd.s32 $0x80, s28;
	v14 =	vld [tilespmem:s16+$0x30];
	v1 =	vadd.f32 v1, v13;
	v11 =	vmul.f32 v11, v0  }
0x7f: {  	p0 =	slt.u32 s28, $0x700;
	v13 =	vld [tilespmem:s16+$0xFFFFFFC0];
	v7 =	vmax.f32 v7, $0.0e+00;
	v2 =	vadd.f32 v2, v10;
	v8 =	vmul.f32 v8, v0  }
0x80: {  	v10 =	vld [tilespmem:s31+$0xFFFFFFD0];
	[tilespmem:s14+$0xFFFFFFC0] =	vst v7;
	v1 =	vmax.f32 v1, $0.0e+00;
	v3 =	vadd.f32 v3, v11;
	v7 =	vmul.f32 v9, v0  }
0x81: {  	v9 =	vld [tilespmem:s16+$0xFFFFFFD0];
	[tilespmem:s14+$0xFFFFFFD0] =	vst v1;
	v1 =	vmax.f32 v2, $0.0e+00;
	v2 =	vadd.f32 v4, v8;
	v4 =	vmul.f32 v12, v0  }
0x82: {  	v8 =	vld [tilespmem:s31+$0xFFFFFFE0];
	[tilespmem:s14+$0xFFFFFFE0] =	vst v1;
	v1 =	vmax.f32 v3, $0.0e+00;
	v3 =	vadd.f32 v5, v7  }
0x83: {  	v5 =	vld [tilespmem:s16+$0xFFFFFFE0];
	[tilespmem:s14+$0xFFFFFFF0] =	vst v1;
	v1 =	vmax.f32 v2, $0.0e+00;
	v2 =	vadd.f32 v6, v4  }
0x84: {  	v4 =	vld [tilespmem:s31+$0xFFFFFFF0];
	[tilespmem:s14+$0x0] =	vst v1;
	v1 =	vmax.f32 v3, $0.0e+00  }
0x85: {  	v3 =	vld.idx.msk [tilespmem:v15+s4+$0x0], $0xffff;
	[tilespmem:s14+$0x10] =	vst v1;
	v1 =	vmax.f32 v2, $0.0e+00  }
0x86: {  	v2 =	vld.idx.msk [tilespmem:v14+s4+$0x0], $0xffff;
	[tilespmem:s14+$0x20] =	vst v1  }
0x87: {  	s14 =	sadd.s32 $0x80, s14;
	v1 =	vld [tilespmem:s16+$0xFFFFFFF0]  }
0x88: {  	v6 =	vld [tilespmem:s14+$0x30]  }
0x89: {  	v7 =	vld [tilespmem:s31+$0x0]  }
0x8a: {  	v11 =	vld [tilespmem:s16+$0x0]  }
0x8b: {  	v12 =	vld [tilespmem:s31+$0x10]  }
0x8c: {  	v3 =	vshll.u32 v3, $0x10;
	v2 =	vand.u32 $0xFFFF0000, v2;
	v14 =	vld [tilespmem:s16+$0x10]  }
0x8d: {  	v2 =	vadd.f32 v2, v3;
	v15 =	vld [tilespmem:s31+$0x20];
	v3 =	vmul.f32 v6, v0  }
0x8e: {  	v6 =	vld [tilespmem:s16+$0x20]  }
0x8f: {  	v16 =	vld [tilespmem:s31+$0xFFFFFFC0];
	v2 =	vadd.f32 v2, v3  }
0x90: {  	v3 =	vld.idx.msk [tilespmem:v13+s4+$0x0], $0xffff  }
0x91: {  	v10 =	vld.idx.msk [tilespmem:v10+s4+$0x0], $0xffff;
	v2 =	vmax.f32 v2, $0.0e+00  }
0x92: {  	v9 =	vld.idx.msk [tilespmem:v9+s4+$0x0], $0xffff;
	[tilespmem:s14+$0x30] =	vst v2  }
0x93: {  	v2 =	vld.idx.msk [tilespmem:v8+s4+$0x0], $0xffff  }
0x94: {  	v5 =	vld.idx.msk [tilespmem:v5+s4+$0x0], $0xffff  }
0x95: {  	v4 =	vld.idx.msk [tilespmem:v4+s4+$0x0], $0xffff  }
0x96: {  	v8 =	vand.u32 $0xFFFF0000, v3;
	v3 =	vld.idx.msk [tilespmem:v1+s4+$0x0], $0xffff  }
0x97: {  	v1 =	vshll.u32 v10, $0x10;
	v13 =	vld.idx.msk [tilespmem:v16+s4+$0x0], $0xffff  }
0x98: {  	v9 =	vand.u32 $0xFFFF0000, v9;
	v10 =	vld.idx.msk [tilespmem:v7+s4+$0x0], $0xffff  }
0x99: {  	v1 =	vadd.f32 v9, v1;
	v2 =	vshll.u32 v2, $0x10;
	v9 =	vld.idx.msk [tilespmem:v11+s4+$0x0], $0xffff  }
0x9a: {  	v5 =	vand.u32 $0xFFFF0000, v5;
	v11 =	vld.idx.msk [tilespmem:v12+s4+$0x0], $0xffff  }
0x9b: {  	v2 =	vadd.f32 v5, v2;
	v4 =	vshll.u32 v4, $0x10;
	v5 =	vld.idx.msk [tilespmem:v14+s4+$0x0], $0xffff  }
0x9c: {  	v3 =	vand.u32 $0xFFFF0000, v3;
	v12 =	vld.idx.msk [tilespmem:v15+s4+$0x0], $0xffff  }
0x9d: {  	v7 =	vshll.u32 v13, $0x10;
	v3 =	vadd.f32 v3, v4;
	v6 =	vld.idx.msk [tilespmem:v6+s4+$0x0], $0xffff  }
0x9e: {  	v7 =	vadd.f32 v8, v7;
	v4 =	vshll.u32 v10, $0x10;
	v13 =	vld [tilespmem:s14+$0xFFFFFFC0]  }
0x9f: {  	v8 =	vand.u32 $0xFFFF0000, v9;
	v15 =	vld [tilespmem:s14+$0xFFFFFFD0]  }
.Ltmp6:
0xa0: {  	v4 =	vadd.f32 v8, v4;
	v9 =	vshll.u32 v11, $0x10;
	v10 =	vld [tilespmem:s14+$0xFFFFFFE0];
	(pc) =	sbr.rel @p0 .LBB2_5-.Ltmp6, $4  }
0xa1: {  	v5 =	vand.u32 $0xFFFF0000, v5;
	v11 =	vld [tilespmem:s14+$0xFFFFFFF0]  }
0xa2: {  	v5 =	vadd.f32 v5, v9;
	v12 =	vshll.u32 v12, $0x10;
	v8 =	vld [tilespmem:s14+$0x0]  }
0xa3: {  	v6 =	vand.u32 $0xFFFF0000, v6;
	v14 =	vmul.f32 v13, v0;
	v9 =	vld [tilespmem:s14+$0x10]  }
0xa4: {  	s31 =	sadd.s32 $0x80, s31;
	v6 =	vadd.f32 v6, v12;
	v13 =	vmul.f32 v15, v0;
	v12 =	vld [tilespmem:s14+$0x20]  }
0xa5: {  	v7 =	vadd.f32 v7, v14;
	v10 =	vmul.f32 v10, v0  }
0xa6: {  	v1 =	vadd.f32 v1, v13;
	v11 =	vmul.f32 v11, v0  }
0xa7: {  	v7 =	vmax.f32 v7, $0.0e+00;
	v2 =	vadd.f32 v2, v10;
	v8 =	vmul.f32 v8, v0  }
0xa8: {  	[tilespmem:s14+$0xFFFFFFC0] =	vst v7;
	v1 =	vmax.f32 v1, $0.0e+00;
	v3 =	vadd.f32 v3, v11;
	v62 =	vmul.f32 v9, v0  }
0xa9: {  	[tilespmem:s14+$0xFFFFFFD0] =	vst v1;
	v1 =	vmax.f32 v2, $0.0e+00;
	v2 =	vadd.f32 v4, v8;
	v63 =	vmul.f32 v12, v0  }
0xaa: {  	[tilespmem:s14+$0xFFFFFFE0] =	vst v1;
	v1 =	vmax.f32 v3, $0.0e+00;
	v3 =	vadd.f32 v5, v62  }
0xab: {  	[tilespmem:s14+$0xFFFFFFF0] =	vst v1;
	v1 =	vmax.f32 v2, $0.0e+00;
	v2 =	vadd.f32 v6, v63  }
0xac: {  	[tilespmem:s14+$0x0] =	vst v1;
	v1 =	vmax.f32 v3, $0.0e+00  }
0xad: {  	[tilespmem:s14+$0x10] =	vst v1;
	v1 =	vmax.f32 v2, $0.0e+00  }
0xae: {  	[tilespmem:s14+$0x20] =	vst v1  }
.LBB2_7:
0xaf: {  	v1 =	vld [tilespmem:s9+$0x0]  }
0xb0: {  	v2 =	vld [tilespmem:s26+$0x0];
	_ =	sdelay $0x6  }
0xb1: {  	v1 =	vld.idx.msk [tilespmem:v1+s4+$0x0], $0xffff  }
0xb2: {  	v2 =	vld.idx.msk [tilespmem:v2+s4+$0x0], $0xffff  }
0xb3: {  	v3 =	vld [tilespmem:s6+$0x0];
	_ =	sdelay $0x3  }
0xb4: {  	s24 =	sadd.s32 $0x10, s24;
	v1 =	vshll.u32 v1, $0x10;
	v2 =	vand.u32 $0xFFFF0000, v2  }
0xb5: {  	p0 =	slt.u32 s24, $0x7C0;
	v1 =	vadd.f32 v2, v1;
	v2 =	vmul.f32 v3, v0  }
.Ltmp7:
0xb6: {  	_ = 	snop;
	(pc) =	sbr.rel @p0 .LBB2_7-.Ltmp7, $3  }
0xb7: {  	v1 =	vadd.f32 v1, v2;
	_ =	sdelay $0x1  }
0xb8: {  	v1 =	vmax.f32 v1, $0.0e+00  }
0xb9: {  	s26 =	sadd.s32 $0x10, s26;
	s9 =	sadd.s32 $0x10, s9;
	[tilespmem:s6+$0x0] =	vst v1;
	s6 =	sadd.s32 $0x10, s6  }
.Ltmp8:
0xba: {  	(pc) =	sbr.rel .LBB2_25-.Ltmp8, $4  }
0xbb: {  	_ = 	snop  }
0xbc: {  	s6 =	sshrl.u32 s13, $0x3  }
0xbd: {  	s6 =	sadd.s32 s3, s6  }
0xbe: {  	[hbm4b:s6+s4] =	stream.linear.scatter [tilespmem:s19], [sflag:$0x5], $0x7D0, $0x38;
	[tilespmem:$0x1E780] =	vst v63  }
.LBB2_19:
0xbf: {  	p2 =	seq.s32 s9, $0x2  }
.Ltmp9:
0xc0: {  	_ = 	snop;
	(pc) =	sbr.rel @!p2 .LBB2_20-.Ltmp9, $3  }
0xc1: {  	_ =	sdelay $0x1  }
0xc2: {  	p0 =	slt.u32 s12, $0x2  }
0xc3: {  	p1 =	sgt.u32 @!p0 s12, $0x2F  }
0xc4: {  	_ =	swait.ge [sflag:s8], $0x7D0  }
0xc5: {  	[sflag:s8] =	ssyncset.done $0x0  }
0xc6: {  	[sflag:s8] =	ssyncadd.s32 $0xFFFFF830  }
0xc7: {  	_ =	swait.ge [sflag:s8], $0x7D0  }
0xc8: {  	[sflag:s8] =	ssyncset.done $0x0  }
0xc9: {  	[sflag:s8] =	ssyncadd.s32 $0xFFFFF830  }
0xca: {  	_ =	swait.ge [sflag:s8], $0x7D0  }
0xcb: {  	[sflag:s8] =	ssyncset.done $0x0  }
0xcc: {  	s9 =	simm.s32 @!p0 $0x5;
	p1 =	por p0, !p1;
	[sflag:s8] =	ssyncadd.s32 $0xFFFFF830  }
0xcd: {  	s6 =	sadd.s32 @p1 s6, s15;
	_ =	swait.ge @!p0 [sflag:s9], $0x7D0  }
0xce: {  	s6 =	sshrl.u32 @p1 s6, $0x3;
	[sflag:s9] =	ssyncset.done @!p0 $0x0  }
0xcf: {  	[sflag:s9] =	ssyncadd.s32 @!p0 $0xFFFFF830;
	s9 =	sadd.s32 @p1 s7, s6  }
0xd0: {  	[tilespmem:s17], [sflag:$0x1] =	stream.linear.gather @p1 [hbm4b:s9+s4], $0x7D0, $0x38;
	[tilespmem:$0x1E780] =	vst v63  }
0xd1: {  	s9 =	sadd.s32 @p1 $0x61A80, s9  }
0xd2: {  	[tilespmem:s18], [sflag:$0x1] =	stream.linear.gather @p1 [hbm4b:s9+s4], $0x7D0, $0x38;
	[tilespmem:$0x1E780] =	vst v63  }
0xd3: {  	s26 =	simm.s32 $0x19740;
	s6 =	sadd.s32 @p1 s2, s6  }
0xd4: {  	[tilespmem:s19], [sflag:$0x1] =	stream.linear.gather @p1 [hbm4b:s6+s4], $0x7D0, $0x38;
	[tilespmem:$0x1E780] =	vst v63  }
0xd5: {  	s16 =	simm.s32 $0x1B740;
	v1 =	vld [tilespmem:s26+$0x30]  }
0xd6: {  	v2 =	vld [tilespmem:s16+$0x30]  }
0xd7: {  	v3 =	vld [tilespmem:s16+$0xFFFFFFC0]  }
0xd8: {  	v4 =	vld [tilespmem:s26+$0xFFFFFFD0]  }
0xd9: {  	v5 =	vld [tilespmem:s16+$0xFFFFFFD0]  }
0xda: {  	v6 =	vld [tilespmem:s26+$0xFFFFFFE0]  }
0xdb: {  	v7 =	vld [tilespmem:s16+$0xFFFFFFE0]  }
0xdc: {  	v8 =	vld [tilespmem:s26+$0xFFFFFFF0]  }
0xdd: {  	s14 =	simm.s32 $0x1D740;
	v9 =	vld [tilespmem:s16+$0xFFFFFFF0]  }
0xde: {  	v10 =	vld [tilespmem:s14+$0x30]  }
0xdf: {  	v11 =	vld [tilespmem:s26+$0x0]  }
0xe0: {  	v12 =	vld [tilespmem:s16+$0x0]  }
0xe1: {  	v13 =	vld [tilespmem:s26+$0x10]  }
0xe2: {  	v14 =	vld [tilespmem:s16+$0x10]  }
0xe3: {  	v15 =	vld [tilespmem:s26+$0x20]  }
0xe4: {  	v16 =	vld [tilespmem:s16+$0x20]  }
0xe5: {  	v17 =	vld [tilespmem:s26+$0xFFFFFFC0]  }
0xe6: {  	v1 =	vld.idx.msk [tilespmem:v1+s4+$0x0], $0xffff  }
0xe7: {  	v2 =	vld.idx.msk [tilespmem:v2+s4+$0x0], $0xffff  }
0xe8: {  	v3 =	vld.idx.msk [tilespmem:v3+s4+$0x0], $0xffff  }
0xe9: {  	v4 =	vld.idx.msk [tilespmem:v4+s4+$0x0], $0xffff  }
0xea: {  	v5 =	vld.idx.msk [tilespmem:v5+s4+$0x0], $0xffff  }
0xeb: {  	v6 =	vld.idx.msk [tilespmem:v6+s4+$0x0], $0xffff  }
0xec: {  	v7 =	vld.idx.msk [tilespmem:v7+s4+$0x0], $0xffff  }
0xed: {  	v8 =	vld.idx.msk [tilespmem:v8+s4+$0x0], $0xffff  }
0xee: {  	v9 =	vld.idx.msk [tilespmem:v9+s4+$0x0], $0xffff  }
0xef: {  	v17 =	vld.idx.msk [tilespmem:v17+s4+$0x0], $0xffff  }
0xf0: {  	v11 =	vld.idx.msk [tilespmem:v11+s4+$0x0], $0xffff;
	v1 =	vshll.u32 v1, $0x10;
	v2 =	vand.u32 $0xFFFF0000, v2  }
0xf1: {  	v12 =	vld.idx.msk [tilespmem:v12+s4+$0x0], $0xffff;
	v1 =	vadd.f32 v2, v1;
	v2 =	vmul.f32 v10, v0  }
0xf2: {  	v13 =	vld.idx.msk [tilespmem:v13+s4+$0x0], $0xffff  }
0xf3: {  	v14 =	vld.idx.msk [tilespmem:v14+s4+$0x0], $0xffff;
	v1 =	vadd.f32 v1, v2  }
0xf4: {  	v15 =	vld.idx.msk [tilespmem:v15+s4+$0x0], $0xffff;
	v2 =	vand.u32 $0xFFFF0000, v5  }
0xf5: {  	v16 =	vld.idx.msk [tilespmem:v16+s4+$0x0], $0xffff;
	v5 =	vshll.u32 v8, $0x10;
	v18 =	vmax.f32 v1, $0.0e+00;
	v1 =	vshll.u32 v4, $0x10  }
0xf6: {  	v8 =	vshll.u32 v17, $0x10;
	v1 =	vadd.f32 v2, v1;
	v2 =	vshll.u32 v6, $0x10;
	v6 =	vld [tilespmem:s14+$0xFFFFFFC0]  }
0xf7: {  	v19 =	vld [tilespmem:s14+$0xFFFFFFD0];
	v4 =	vand.u32 $0xFFFF0000, v3;
	v3 =	vand.u32 $0xFFFF0000, v7;
	v7 =	vand.u32 $0xFFFF0000, v9  }
0xf8: {  	v10 =	vld [tilespmem:s14+$0xFFFFFFE0];
	v9 =	vand.u32 $0xFFFF0000, v14;
	v2 =	vadd.f32 v3, v2;
	v3 =	vadd.f32 v7, v5  }
0xf9: {  	v7 =	vadd.f32 v4, v8;
	v4 =	vshll.u32 v11, $0x10;
	v5 =	vand.u32 $0xFFFF0000, v12;
	v11 =	vld [tilespmem:s14+$0xFFFFFFF0]  }
0xfa: {  	v8 =	vld [tilespmem:s14+$0x0];
	v12 =	vshll.u32 v15, $0x10;
	v4 =	vadd.f32 v5, v4;
	v5 =	vshll.u32 v13, $0x10  }
0xfb: {  	s28 =	simm.s32 $0x0;
	s24 =	simm.s32 $0x770;
	s31 =	simm.s32 $0x197C0;
	v15 =	vand.u32 $0xFFFF0000, v16;
	v5 =	vadd.f32 v9, v5;
	v9 =	vld [tilespmem:s14+$0x10];
	v14 =	vmul.f32 v6, v0  }
0xfc: {  	s9 =	simm.s32 $0x19E80;
	s6 =	simm.s32 $0x1DE80;
	s26 =	simm.s32 $0x1BE80;
	[tilespmem:s14+$0x30] =	vst v18;
	v13 =	vmul.f32 v19, v0;
	v6 =	vadd.f32 v15, v12;
	v12 =	vld [tilespmem:s14+$0x20]  }
.LBB2_15:
0xfd: {  	v15 =	vld [tilespmem:s31+$0x30];
	v7 =	vadd.f32 v7, v14;
	v10 =	vmul.f32 v10, v0;
	s16 =	sadd.s32 $0x80, s16  }
0xfe: {  	s28 =	sadd.s32 $0x80, s28;
	v14 =	vld [tilespmem:s16+$0x30];
	v1 =	vadd.f32 v1, v13;
	v11 =	vmul.f32 v11, v0  }
0xff: {  	p0 =	slt.u32 s28, $0x700;
	v13 =	vld [tilespmem:s16+$0xFFFFFFC0];
	v7 =	vmax.f32 v7, $0.0e+00;
	v2 =	vadd.f32 v2, v10;
	v8 =	vmul.f32 v8, v0  }
0x100: {  	v10 =	vld [tilespmem:s31+$0xFFFFFFD0];
	[tilespmem:s14+$0xFFFFFFC0] =	vst v7;
	v1 =	vmax.f32 v1, $0.0e+00;
	v3 =	vadd.f32 v3, v11;
	v7 =	vmul.f32 v9, v0  }
0x101: {  	v9 =	vld [tilespmem:s16+$0xFFFFFFD0];
	[tilespmem:s14+$0xFFFFFFD0] =	vst v1;
	v1 =	vmax.f32 v2, $0.0e+00;
	v2 =	vadd.f32 v4, v8;
	v4 =	vmul.f32 v12, v0  }
0x102: {  	v8 =	vld [tilespmem:s31+$0xFFFFFFE0];
	[tilespmem:s14+$0xFFFFFFE0] =	vst v1;
	v1 =	vmax.f32 v3, $0.0e+00;
	v3 =	vadd.f32 v5, v7  }
0x103: {  	v5 =	vld [tilespmem:s16+$0xFFFFFFE0];
	[tilespmem:s14+$0xFFFFFFF0] =	vst v1;
	v1 =	vmax.f32 v2, $0.0e+00;
	v2 =	vadd.f32 v6, v4  }
0x104: {  	v4 =	vld [tilespmem:s31+$0xFFFFFFF0];
	[tilespmem:s14+$0x0] =	vst v1;
	v1 =	vmax.f32 v3, $0.0e+00  }
0x105: {  	v3 =	vld.idx.msk [tilespmem:v15+s4+$0x0], $0xffff;
	[tilespmem:s14+$0x10] =	vst v1;
	v1 =	vmax.f32 v2, $0.0e+00  }
0x106: {  	v2 =	vld.idx.msk [tilespmem:v14+s4+$0x0], $0xffff;
	[tilespmem:s14+$0x20] =	vst v1  }
0x107: {  	s14 =	sadd.s32 $0x80, s14;
	v1 =	vld [tilespmem:s16+$0xFFFFFFF0]  }
0x108: {  	v6 =	vld [tilespmem:s14+$0x30]  }
0x109: {  	v7 =	vld [tilespmem:s31+$0x0]  }
0x10a: {  	v11 =	vld [tilespmem:s16+$0x0]  }
0x10b: {  	v12 =	vld [tilespmem:s31+$0x10]  }
0x10c: {  	v3 =	vshll.u32 v3, $0x10;
	v2 =	vand.u32 $0xFFFF0000, v2;
	v14 =	vld [tilespmem:s16+$0x10]  }
0x10d: {  	v2 =	vadd.f32 v2, v3;
	v15 =	vld [tilespmem:s31+$0x20];
	v3 =	vmul.f32 v6, v0  }
0x10e: {  	v6 =	vld [tilespmem:s16+$0x20]  }
0x10f: {  	v16 =	vld [tilespmem:s31+$0xFFFFFFC0];
	v2 =	vadd.f32 v2, v3  }
0x110: {  	v3 =	vld.idx.msk [tilespmem:v13+s4+$0x0], $0xffff  }
0x111: {  	v10 =	vld.idx.msk [tilespmem:v10+s4+$0x0], $0xffff;
	v2 =	vmax.f32 v2, $0.0e+00  }
0x112: {  	v9 =	vld.idx.msk [tilespmem:v9+s4+$0x0], $0xffff;
	[tilespmem:s14+$0x30] =	vst v2  }
0x113: {  	v2 =	vld.idx.msk [tilespmem:v8+s4+$0x0], $0xffff  }
0x114: {  	v5 =	vld.idx.msk [tilespmem:v5+s4+$0x0], $0xffff  }
0x115: {  	v4 =	vld.idx.msk [tilespmem:v4+s4+$0x0], $0xffff  }
0x116: {  	v8 =	vand.u32 $0xFFFF0000, v3;
	v3 =	vld.idx.msk [tilespmem:v1+s4+$0x0], $0xffff  }
0x117: {  	v1 =	vshll.u32 v10, $0x10;
	v13 =	vld.idx.msk [tilespmem:v16+s4+$0x0], $0xffff  }
0x118: {  	v9 =	vand.u32 $0xFFFF0000, v9;
	v10 =	vld.idx.msk [tilespmem:v7+s4+$0x0], $0xffff  }
0x119: {  	v1 =	vadd.f32 v9, v1;
	v2 =	vshll.u32 v2, $0x10;
	v9 =	vld.idx.msk [tilespmem:v11+s4+$0x0], $0xffff  }
0x11a: {  	v5 =	vand.u32 $0xFFFF0000, v5;
	v11 =	vld.idx.msk [tilespmem:v12+s4+$0x0], $0xffff  }
0x11b: {  	v2 =	vadd.f32 v5, v2;
	v4 =	vshll.u32 v4, $0x10;
	v5 =	vld.idx.msk [tilespmem:v14+s4+$0x0], $0xffff  }
0x11c: {  	v3 =	vand.u32 $0xFFFF0000, v3;
	v12 =	vld.idx.msk [tilespmem:v15+s4+$0x0], $0xffff  }
0x11d: {  	v7 =	vshll.u32 v13, $0x10;
	v3 =	vadd.f32 v3, v4;
	v6 =	vld.idx.msk [tilespmem:v6+s4+$0x0], $0xffff  }
0x11e: {  	v7 =	vadd.f32 v8, v7;
	v4 =	vshll.u32 v10, $0x10;
	v13 =	vld [tilespmem:s14+$0xFFFFFFC0]  }
0x11f: {  	v8 =	vand.u32 $0xFFFF0000, v9;
	v15 =	vld [tilespmem:s14+$0xFFFFFFD0]  }
.Ltmp10:
0x120: {  	v4 =	vadd.f32 v8, v4;
	v9 =	vshll.u32 v11, $0x10;
	v10 =	vld [tilespmem:s14+$0xFFFFFFE0];
	(pc) =	sbr.rel @p0 .LBB2_15-.Ltmp10, $4  }
0x121: {  	v5 =	vand.u32 $0xFFFF0000, v5;
	v11 =	vld [tilespmem:s14+$0xFFFFFFF0]  }
0x122: {  	v5 =	vadd.f32 v5, v9;
	v12 =	vshll.u32 v12, $0x10;
	v8 =	vld [tilespmem:s14+$0x0]  }
0x123: {  	v6 =	vand.u32 $0xFFFF0000, v6;
	v14 =	vmul.f32 v13, v0;
	v9 =	vld [tilespmem:s14+$0x10]  }
0x124: {  	s31 =	sadd.s32 $0x80, s31;
	v6 =	vadd.f32 v6, v12;
	v13 =	vmul.f32 v15, v0;
	v12 =	vld [tilespmem:s14+$0x20]  }
0x125: {  	v7 =	vadd.f32 v7, v14;
	v10 =	vmul.f32 v10, v0  }
0x126: {  	v1 =	vadd.f32 v1, v13;
	v11 =	vmul.f32 v11, v0  }
0x127: {  	v7 =	vmax.f32 v7, $0.0e+00;
	v2 =	vadd.f32 v2, v10;
	v8 =	vmul.f32 v8, v0  }
0x128: {  	[tilespmem:s14+$0xFFFFFFC0] =	vst v7;
	v1 =	vmax.f32 v1, $0.0e+00;
	v3 =	vadd.f32 v3, v11;
	v62 =	vmul.f32 v9, v0  }
0x129: {  	[tilespmem:s14+$0xFFFFFFD0] =	vst v1;
	v1 =	vmax.f32 v2, $0.0e+00;
	v2 =	vadd.f32 v4, v8;
	v63 =	vmul.f32 v12, v0  }
0x12a: {  	[tilespmem:s14+$0xFFFFFFE0] =	vst v1;
	v1 =	vmax.f32 v3, $0.0e+00;
	v3 =	vadd.f32 v5, v62  }
0x12b: {  	[tilespmem:s14+$0xFFFFFFF0] =	vst v1;
	v1 =	vmax.f32 v2, $0.0e+00;
	v2 =	vadd.f32 v6, v63  }
0x12c: {  	[tilespmem:s14+$0x0] =	vst v1;
	v1 =	vmax.f32 v3, $0.0e+00  }
0x12d: {  	[tilespmem:s14+$0x10] =	vst v1;
	v1 =	vmax.f32 v2, $0.0e+00  }
0x12e: {  	[tilespmem:s14+$0x20] =	vst v1  }
.LBB2_17:
0x12f: {  	v1 =	vld [tilespmem:s9+$0x0]  }
0x130: {  	v2 =	vld [tilespmem:s26+$0x0];
	_ =	sdelay $0x6  }
0x131: {  	v1 =	vld.idx.msk [tilespmem:v1+s4+$0x0], $0xffff  }
0x132: {  	v2 =	vld.idx.msk [tilespmem:v2+s4+$0x0], $0xffff  }
0x133: {  	v3 =	vld [tilespmem:s6+$0x0];
	_ =	sdelay $0x3  }
0x134: {  	s24 =	sadd.s32 $0x10, s24;
	v1 =	vshll.u32 v1, $0x10;
	v2 =	vand.u32 $0xFFFF0000, v2  }
0x135: {  	p0 =	slt.u32 s24, $0x7C0;
	v1 =	vadd.f32 v2, v1;
	v2 =	vmul.f32 v3, v0  }
.Ltmp11:
0x136: {  	_ = 	snop;
	(pc) =	sbr.rel @p0 .LBB2_17-.Ltmp11, $3  }
0x137: {  	v1 =	vadd.f32 v1, v2;
	_ =	sdelay $0x1  }
0x138: {  	v1 =	vmax.f32 v1, $0.0e+00  }
0x139: {  	s26 =	sadd.s32 $0x10, s26;
	s9 =	sadd.s32 $0x10, s9;
	[tilespmem:s6+$0x0] =	vst v1;
	s6 =	sadd.s32 $0x10, s6  }
.Ltmp12:
0x13a: {  	(pc) =	sbr.rel .LBB2_25-.Ltmp12, $4  }
0x13b: {  	_ = 	snop  }
0x13c: {  	s6 =	sshrl.u32 s13, $0x3  }
0x13d: {  	s6 =	sadd.s32 s3, s6  }
0x13e: {  	[hbm4b:s6+s4] =	stream.linear.scatter [tilespmem:s29], [sflag:$0x7], $0x7D0, $0x38;
	[tilespmem:$0x1E780] =	vst v63  }
.LBB2_9:
0x13f: {  	_ =	swait.ge [sflag:s30], $0x7D0  }
0x140: {  	[sflag:s30] =	ssyncset.done $0x0  }
0x141: {  	[sflag:s30] =	ssyncadd.s32 $0xFFFFF830  }
0x142: {  	_ =	swait.ge [sflag:s30], $0x7D0  }
0x143: {  	[sflag:s30] =	ssyncset.done $0x0  }
0x144: {  	[sflag:s30] =	ssyncadd.s32 $0xFFFFF830  }
0x145: {  	p0 =	slt.u32 s12, $0x2;
	_ =	swait.ge [sflag:s30], $0x7D0  }
0x146: {  	p1 =	sgt.u32 @!p0 s12, $0x2F;
	[sflag:s30] =	ssyncset.done $0x0  }
0x147: {  	s9 =	simm.s32 @!p0 $0x8;
	p1 =	por p0, !p1;
	[sflag:s30] =	ssyncadd.s32 $0xFFFFF830  }
0x148: {  	s6 =	sadd.s32 @p1 s6, s15;
	_ =	swait.ge @!p0 [sflag:s9], $0x7D0  }
0x149: {  	s6 =	sshrl.u32 @p1 s6, $0x3;
	[sflag:s9] =	ssyncset.done @!p0 $0x0  }
0x14a: {  	s14 =	simm.s32 @p1 $0x19F00;
	[sflag:s9] =	ssyncadd.s32 @!p0 $0xFFFFF830;
	s9 =	sadd.s32 @p1 s7, s6  }
0x14b: {  	[tilespmem:s14], [sflag:$0x4] =	stream.linear.gather @p1 [hbm4b:s9+s4], $0x7D0, $0x38;
	[tilespmem:$0x1E780] =	vst v63  }
0x14c: {  	s9 =	sadd.s32 @p1 $0x61A80, s9  }
0x14d: {  	[tilespmem:s1], [sflag:$0x4] =	stream.linear.gather @p1 [hbm4b:s9+s4], $0x7D0, $0x38;
	[tilespmem:$0x1E780] =	vst v63  }
0x14e: {  	s26 =	simm.s32 $0x18F40;
	s6 =	sadd.s32 @p1 s2, s6  }
0x14f: {  	[tilespmem:s0], [sflag:$0x4] =	stream.linear.gather @p1 [hbm4b:s6+s4], $0x7D0, $0x38;
	[tilespmem:$0x1E780] =	vst v63  }
0x150: {  	s16 =	simm.s32 $0x1AF40;
	v1 =	vld [tilespmem:s26+$0x30]  }
0x151: {  	v2 =	vld [tilespmem:s16+$0x30]  }
0x152: {  	v3 =	vld [tilespmem:s16+$0xFFFFFFC0]  }
0x153: {  	v4 =	vld [tilespmem:s26+$0xFFFFFFD0]  }
0x154: {  	v5 =	vld [tilespmem:s16+$0xFFFFFFD0]  }
0x155: {  	v6 =	vld [tilespmem:s26+$0xFFFFFFE0]  }
0x156: {  	v7 =	vld [tilespmem:s16+$0xFFFFFFE0]  }
0x157: {  	v8 =	vld [tilespmem:s26+$0xFFFFFFF0]  }
0x158: {  	s14 =	simm.s32 $0x1CF40;
	v9 =	vld [tilespmem:s16+$0xFFFFFFF0]  }
0x159: {  	v10 =	vld [tilespmem:s14+$0x30]  }
0x15a: {  	v11 =	vld [tilespmem:s26+$0x0]  }
0x15b: {  	v12 =	vld [tilespmem:s16+$0x0]  }
0x15c: {  	v13 =	vld [tilespmem:s26+$0x10]  }
0x15d: {  	v14 =	vld [tilespmem:s16+$0x10]  }
0x15e: {  	v15 =	vld [tilespmem:s26+$0x20]  }
0x15f: {  	v16 =	vld [tilespmem:s16+$0x20]  }
0x160: {  	v17 =	vld [tilespmem:s26+$0xFFFFFFC0]  }
0x161: {  	v1 =	vld.idx.msk [tilespmem:v1+s4+$0x0], $0xffff  }
0x162: {  	v2 =	vld.idx.msk [tilespmem:v2+s4+$0x0], $0xffff  }
0x163: {  	v3 =	vld.idx.msk [tilespmem:v3+s4+$0x0], $0xffff  }
0x164: {  	v4 =	vld.idx.msk [tilespmem:v4+s4+$0x0], $0xffff  }
0x165: {  	v5 =	vld.idx.msk [tilespmem:v5+s4+$0x0], $0xffff  }
0x166: {  	v6 =	vld.idx.msk [tilespmem:v6+s4+$0x0], $0xffff  }
0x167: {  	v7 =	vld.idx.msk [tilespmem:v7+s4+$0x0], $0xffff  }
0x168: {  	v8 =	vld.idx.msk [tilespmem:v8+s4+$0x0], $0xffff  }
0x169: {  	v9 =	vld.idx.msk [tilespmem:v9+s4+$0x0], $0xffff  }
0x16a: {  	v17 =	vld.idx.msk [tilespmem:v17+s4+$0x0], $0xffff  }
0x16b: {  	v11 =	vld.idx.msk [tilespmem:v11+s4+$0x0], $0xffff;
	v1 =	vshll.u32 v1, $0x10;
	v2 =	vand.u32 $0xFFFF0000, v2  }
0x16c: {  	v12 =	vld.idx.msk [tilespmem:v12+s4+$0x0], $0xffff;
	v1 =	vadd.f32 v2, v1;
	v2 =	vmul.f32 v10, v0  }
0x16d: {  	v13 =	vld.idx.msk [tilespmem:v13+s4+$0x0], $0xffff  }
0x16e: {  	v14 =	vld.idx.msk [tilespmem:v14+s4+$0x0], $0xffff;
	v1 =	vadd.f32 v1, v2  }
0x16f: {  	v15 =	vld.idx.msk [tilespmem:v15+s4+$0x0], $0xffff;
	v2 =	vand.u32 $0xFFFF0000, v5  }
0x170: {  	v16 =	vld.idx.msk [tilespmem:v16+s4+$0x0], $0xffff;
	v5 =	vshll.u32 v8, $0x10;
	v18 =	vmax.f32 v1, $0.0e+00;
	v1 =	vshll.u32 v4, $0x10  }
0x171: {  	v8 =	vshll.u32 v17, $0x10;
	v1 =	vadd.f32 v2, v1;
	v2 =	vshll.u32 v6, $0x10;
	v6 =	vld [tilespmem:s14+$0xFFFFFFC0]  }
0x172: {  	v19 =	vld [tilespmem:s14+$0xFFFFFFD0];
	v4 =	vand.u32 $0xFFFF0000, v3;
	v3 =	vand.u32 $0xFFFF0000, v7;
	v7 =	vand.u32 $0xFFFF0000, v9  }
0x173: {  	v10 =	vld [tilespmem:s14+$0xFFFFFFE0];
	v9 =	vand.u32 $0xFFFF0000, v14;
	v2 =	vadd.f32 v3, v2;
	v3 =	vadd.f32 v7, v5  }
0x174: {  	v7 =	vadd.f32 v4, v8;
	v4 =	vshll.u32 v11, $0x10;
	v5 =	vand.u32 $0xFFFF0000, v12;
	v11 =	vld [tilespmem:s14+$0xFFFFFFF0]  }
0x175: {  	v8 =	vld [tilespmem:s14+$0x0];
	v12 =	vshll.u32 v15, $0x10;
	v4 =	vadd.f32 v5, v4;
	v5 =	vshll.u32 v13, $0x10  }
0x176: {  	s28 =	simm.s32 $0x0;
	s24 =	simm.s32 $0x770;
	s31 =	simm.s32 $0x18FC0;
	v15 =	vand.u32 $0xFFFF0000, v16;
	v5 =	vadd.f32 v9, v5;
	v9 =	vld [tilespmem:s14+$0x10];
	v14 =	vmul.f32 v6, v0  }
0x177: {  	s9 =	simm.s32 $0x19680;
	s6 =	simm.s32 $0x1D680;
	s26 =	simm.s32 $0x1B680;
	[tilespmem:s14+$0x30] =	vst v18;
	v13 =	vmul.f32 v19, v0;
	v6 =	vadd.f32 v15, v12;
	v12 =	vld [tilespmem:s14+$0x20]  }
.LBB2_10:
0x178: {  	v15 =	vld [tilespmem:s31+$0x30];
	v7 =	vadd.f32 v7, v14;
	v10 =	vmul.f32 v10, v0;
	s16 =	sadd.s32 $0x80, s16  }
0x179: {  	s28 =	sadd.s32 $0x80, s28;
	v14 =	vld [tilespmem:s16+$0x30];
	v1 =	vadd.f32 v1, v13;
	v11 =	vmul.f32 v11, v0  }
0x17a: {  	p0 =	slt.u32 s28, $0x700;
	v13 =	vld [tilespmem:s16+$0xFFFFFFC0];
	v7 =	vmax.f32 v7, $0.0e+00;
	v2 =	vadd.f32 v2, v10;
	v8 =	vmul.f32 v8, v0  }
0x17b: {  	v10 =	vld [tilespmem:s31+$0xFFFFFFD0];
	[tilespmem:s14+$0xFFFFFFC0] =	vst v7;
	v1 =	vmax.f32 v1, $0.0e+00;
	v3 =	vadd.f32 v3, v11;
	v7 =	vmul.f32 v9, v0  }
0x17c: {  	v9 =	vld [tilespmem:s16+$0xFFFFFFD0];
	[tilespmem:s14+$0xFFFFFFD0] =	vst v1;
	v1 =	vmax.f32 v2, $0.0e+00;
	v2 =	vadd.f32 v4, v8;
	v4 =	vmul.f32 v12, v0  }
0x17d: {  	v8 =	vld [tilespmem:s31+$0xFFFFFFE0];
	[tilespmem:s14+$0xFFFFFFE0] =	vst v1;
	v1 =	vmax.f32 v3, $0.0e+00;
	v3 =	vadd.f32 v5, v7  }
0x17e: {  	v5 =	vld [tilespmem:s16+$0xFFFFFFE0];
	[tilespmem:s14+$0xFFFFFFF0] =	vst v1;
	v1 =	vmax.f32 v2, $0.0e+00;
	v2 =	vadd.f32 v6, v4  }
0x17f: {  	v4 =	vld [tilespmem:s31+$0xFFFFFFF0];
	[tilespmem:s14+$0x0] =	vst v1;
	v1 =	vmax.f32 v3, $0.0e+00  }
0x180: {  	v3 =	vld.idx.msk [tilespmem:v15+s4+$0x0], $0xffff;
	[tilespmem:s14+$0x10] =	vst v1;
	v1 =	vmax.f32 v2, $0.0e+00  }
0x181: {  	v2 =	vld.idx.msk [tilespmem:v14+s4+$0x0], $0xffff;
	[tilespmem:s14+$0x20] =	vst v1  }
0x182: {  	s14 =	sadd.s32 $0x80, s14;
	v1 =	vld [tilespmem:s16+$0xFFFFFFF0]  }
0x183: {  	v6 =	vld [tilespmem:s14+$0x30]  }
0x184: {  	v7 =	vld [tilespmem:s31+$0x0]  }
0x185: {  	v11 =	vld [tilespmem:s16+$0x0]  }
0x186: {  	v12 =	vld [tilespmem:s31+$0x10]  }
0x187: {  	v3 =	vshll.u32 v3, $0x10;
	v2 =	vand.u32 $0xFFFF0000, v2;
	v14 =	vld [tilespmem:s16+$0x10]  }
0x188: {  	v2 =	vadd.f32 v2, v3;
	v15 =	vld [tilespmem:s31+$0x20];
	v3 =	vmul.f32 v6, v0  }
0x189: {  	v6 =	vld [tilespmem:s16+$0x20]  }
0x18a: {  	v16 =	vld [tilespmem:s31+$0xFFFFFFC0];
	v2 =	vadd.f32 v2, v3  }
0x18b: {  	v3 =	vld.idx.msk [tilespmem:v13+s4+$0x0], $0xffff  }
0x18c: {  	v10 =	vld.idx.msk [tilespmem:v10+s4+$0x0], $0xffff;
	v2 =	vmax.f32 v2, $0.0e+00  }
0x18d: {  	v9 =	vld.idx.msk [tilespmem:v9+s4+$0x0], $0xffff;
	[tilespmem:s14+$0x30] =	vst v2  }
0x18e: {  	v2 =	vld.idx.msk [tilespmem:v8+s4+$0x0], $0xffff  }
0x18f: {  	v5 =	vld.idx.msk [tilespmem:v5+s4+$0x0], $0xffff  }
0x190: {  	v4 =	vld.idx.msk [tilespmem:v4+s4+$0x0], $0xffff  }
0x191: {  	v8 =	vand.u32 $0xFFFF0000, v3;
	v3 =	vld.idx.msk [tilespmem:v1+s4+$0x0], $0xffff  }
0x192: {  	v1 =	vshll.u32 v10, $0x10;
	v13 =	vld.idx.msk [tilespmem:v16+s4+$0x0], $0xffff  }
0x193: {  	v9 =	vand.u32 $0xFFFF0000, v9;
	v10 =	vld.idx.msk [tilespmem:v7+s4+$0x0], $0xffff  }
0x194: {  	v1 =	vadd.f32 v9, v1;
	v2 =	vshll.u32 v2, $0x10;
	v9 =	vld.idx.msk [tilespmem:v11+s4+$0x0], $0xffff  }
0x195: {  	v5 =	vand.u32 $0xFFFF0000, v5;
	v11 =	vld.idx.msk [tilespmem:v12+s4+$0x0], $0xffff  }
0x196: {  	v2 =	vadd.f32 v5, v2;
	v4 =	vshll.u32 v4, $0x10;
	v5 =	vld.idx.msk [tilespmem:v14+s4+$0x0], $0xffff  }
0x197: {  	v3 =	vand.u32 $0xFFFF0000, v3;
	v12 =	vld.idx.msk [tilespmem:v15+s4+$0x0], $0xffff  }
0x198: {  	v7 =	vshll.u32 v13, $0x10;
	v3 =	vadd.f32 v3, v4;
	v6 =	vld.idx.msk [tilespmem:v6+s4+$0x0], $0xffff  }
0x199: {  	v7 =	vadd.f32 v8, v7;
	v4 =	vshll.u32 v10, $0x10;
	v13 =	vld [tilespmem:s14+$0xFFFFFFC0]  }
0x19a: {  	v8 =	vand.u32 $0xFFFF0000, v9;
	v15 =	vld [tilespmem:s14+$0xFFFFFFD0]  }
.Ltmp13:
0x19b: {  	v4 =	vadd.f32 v8, v4;
	v9 =	vshll.u32 v11, $0x10;
	v10 =	vld [tilespmem:s14+$0xFFFFFFE0];
	(pc) =	sbr.rel @p0 .LBB2_10-.Ltmp13, $4  }
0x19c: {  	v5 =	vand.u32 $0xFFFF0000, v5;
	v11 =	vld [tilespmem:s14+$0xFFFFFFF0]  }
0x19d: {  	v5 =	vadd.f32 v5, v9;
	v12 =	vshll.u32 v12, $0x10;
	v8 =	vld [tilespmem:s14+$0x0]  }
0x19e: {  	v6 =	vand.u32 $0xFFFF0000, v6;
	v14 =	vmul.f32 v13, v0;
	v9 =	vld [tilespmem:s14+$0x10]  }
0x19f: {  	s31 =	sadd.s32 $0x80, s31;
	v6 =	vadd.f32 v6, v12;
	v13 =	vmul.f32 v15, v0;
	v12 =	vld [tilespmem:s14+$0x20]  }
0x1a0: {  	v7 =	vadd.f32 v7, v14;
	v10 =	vmul.f32 v10, v0  }
0x1a1: {  	v1 =	vadd.f32 v1, v13;
	v11 =	vmul.f32 v11, v0  }
0x1a2: {  	v7 =	vmax.f32 v7, $0.0e+00;
	v2 =	vadd.f32 v2, v10;
	v8 =	vmul.f32 v8, v0  }
0x1a3: {  	[tilespmem:s14+$0xFFFFFFC0] =	vst v7;
	v1 =	vmax.f32 v1, $0.0e+00;
	v3 =	vadd.f32 v3, v11;
	v62 =	vmul.f32 v9, v0  }
0x1a4: {  	[tilespmem:s14+$0xFFFFFFD0] =	vst v1;
	v1 =	vmax.f32 v2, $0.0e+00;
	v2 =	vadd.f32 v4, v8;
	v63 =	vmul.f32 v12, v0  }
0x1a5: {  	[tilespmem:s14+$0xFFFFFFE0] =	vst v1;
	v1 =	vmax.f32 v3, $0.0e+00;
	v3 =	vadd.f32 v5, v62  }
0x1a6: {  	[tilespmem:s14+$0xFFFFFFF0] =	vst v1;
	v1 =	vmax.f32 v2, $0.0e+00;
	v2 =	vadd.f32 v6, v63  }
0x1a7: {  	[tilespmem:s14+$0x0] =	vst v1;
	v1 =	vmax.f32 v3, $0.0e+00  }
0x1a8: {  	[tilespmem:s14+$0x10] =	vst v1;
	v1 =	vmax.f32 v2, $0.0e+00  }
0x1a9: {  	[tilespmem:s14+$0x20] =	vst v1  }
.LBB2_12:
0x1aa: {  	v1 =	vld [tilespmem:s9+$0x0]  }
0x1ab: {  	v2 =	vld [tilespmem:s26+$0x0];
	_ =	sdelay $0x6  }
0x1ac: {  	v1 =	vld.idx.msk [tilespmem:v1+s4+$0x0], $0xffff  }
0x1ad: {  	v2 =	vld.idx.msk [tilespmem:v2+s4+$0x0], $0xffff  }
0x1ae: {  	v3 =	vld [tilespmem:s6+$0x0];
	_ =	sdelay $0x3  }
0x1af: {  	s24 =	sadd.s32 $0x10, s24;
	v1 =	vshll.u32 v1, $0x10;
	v2 =	vand.u32 $0xFFFF0000, v2  }
0x1b0: {  	p0 =	slt.u32 s24, $0x7C0;
	v1 =	vadd.f32 v2, v1;
	v2 =	vmul.f32 v3, v0  }
.Ltmp14:
0x1b1: {  	_ = 	snop;
	(pc) =	sbr.rel @p0 .LBB2_12-.Ltmp14, $3  }
0x1b2: {  	v1 =	vadd.f32 v1, v2;
	_ =	sdelay $0x1  }
0x1b3: {  	v1 =	vmax.f32 v1, $0.0e+00  }
0x1b4: {  	s26 =	sadd.s32 $0x10, s26;
	s9 =	sadd.s32 $0x10, s9;
	[tilespmem:s6+$0x0] =	vst v1;
	s6 =	sadd.s32 $0x10, s6  }
.Ltmp15:
0x1b5: {  	(pc) =	sbr.rel .LBB2_25-.Ltmp15, $4  }
0x1b6: {  	_ = 	snop  }
0x1b7: {  	s6 =	sshrl.u32 s13, $0x3  }
0x1b8: {  	s6 =	sadd.s32 s3, s6  }
0x1b9: {  	[hbm4b:s6+s4] =	stream.linear.scatter [tilespmem:s22], [sflag:$0x6], $0x7D0, $0x38;
	[tilespmem:$0x1E780] =	vst v63  }
.LBB2_20:
0x1ba: {  	_ =	swait.ge [sflag:s10], $0x7D0  }
0x1bb: {  	[sflag:s10] =	ssyncset.done $0x0  }
0x1bc: {  	[sflag:s10] =	ssyncadd.s32 $0xFFFFF830  }
0x1bd: {  	_ =	swait.ge [sflag:s10], $0x7D0  }
0x1be: {  	[sflag:s10] =	ssyncset.done $0x0  }
0x1bf: {  	[sflag:s10] =	ssyncadd.s32 $0xFFFFF830  }
0x1c0: {  	_ =	swait.ge [sflag:s10], $0x7D0  }
0x1c1: {  	[sflag:s10] =	ssyncset.done $0x0  }
0x1c2: {  	s9 =	simm.s32 @!p0 $0x6;
	p1 =	por p0, !p1;
	[sflag:s10] =	ssyncadd.s32 $0xFFFFF830  }
0x1c3: {  	s6 =	sadd.s32 @p1 s6, s15;
	_ =	swait.ge @!p0 [sflag:s9], $0x7D0  }
0x1c4: {  	s6 =	sshrl.u32 @p1 s6, $0x3;
	[sflag:s9] =	ssyncset.done @!p0 $0x0  }
0x1c5: {  	[sflag:s9] =	ssyncadd.s32 @!p0 $0xFFFFF830;
	s9 =	sadd.s32 @p1 s7, s6  }
0x1c6: {  	[tilespmem:s20], [sflag:$0x2] =	stream.linear.gather @p1 [hbm4b:s9+s4], $0x7D0, $0x38;
	[tilespmem:$0x1E780] =	vst v63  }
0x1c7: {  	s9 =	sadd.s32 @p1 $0x61A80, s9  }
0x1c8: {  	[tilespmem:s21], [sflag:$0x2] =	stream.linear.gather @p1 [hbm4b:s9+s4], $0x7D0, $0x38;
	[tilespmem:$0x1E780] =	vst v63  }
0x1c9: {  	s26 =	simm.s32 $0x19F40;
	s6 =	sadd.s32 @p1 s2, s6  }
0x1ca: {  	[tilespmem:s22], [sflag:$0x2] =	stream.linear.gather @p1 [hbm4b:s6+s4], $0x7D0, $0x38;
	[tilespmem:$0x1E780] =	vst v63  }
0x1cb: {  	s16 =	simm.s32 $0x1BF40;
	v1 =	vld [tilespmem:s26+$0x30]  }
0x1cc: {  	v2 =	vld [tilespmem:s16+$0x30]  }
0x1cd: {  	v3 =	vld [tilespmem:s16+$0xFFFFFFC0]  }
0x1ce: {  	v4 =	vld [tilespmem:s26+$0xFFFFFFD0]  }
0x1cf: {  	v5 =	vld [tilespmem:s16+$0xFFFFFFD0]  }
0x1d0: {  	v6 =	vld [tilespmem:s26+$0xFFFFFFE0]  }
0x1d1: {  	v7 =	vld [tilespmem:s16+$0xFFFFFFE0]  }
0x1d2: {  	v8 =	vld [tilespmem:s26+$0xFFFFFFF0]  }
0x1d3: {  	s14 =	simm.s32 $0x1DF40;
	v9 =	vld [tilespmem:s16+$0xFFFFFFF0]  }
0x1d4: {  	v10 =	vld [tilespmem:s14+$0x30]  }
0x1d5: {  	v11 =	vld [tilespmem:s26+$0x0]  }
0x1d6: {  	v12 =	vld [tilespmem:s16+$0x0]  }
0x1d7: {  	v13 =	vld [tilespmem:s26+$0x10]  }
0x1d8: {  	v14 =	vld [tilespmem:s16+$0x10]  }
0x1d9: {  	v15 =	vld [tilespmem:s26+$0x20]  }
0x1da: {  	v16 =	vld [tilespmem:s16+$0x20]  }
0x1db: {  	v17 =	vld [tilespmem:s26+$0xFFFFFFC0]  }
0x1dc: {  	v1 =	vld.idx.msk [tilespmem:v1+s4+$0x0], $0xffff  }
0x1dd: {  	v2 =	vld.idx.msk [tilespmem:v2+s4+$0x0], $0xffff  }
0x1de: {  	v3 =	vld.idx.msk [tilespmem:v3+s4+$0x0], $0xffff  }
0x1df: {  	v4 =	vld.idx.msk [tilespmem:v4+s4+$0x0], $0xffff  }
0x1e0: {  	v5 =	vld.idx.msk [tilespmem:v5+s4+$0x0], $0xffff  }
0x1e1: {  	v6 =	vld.idx.msk [tilespmem:v6+s4+$0x0], $0xffff  }
0x1e2: {  	v7 =	vld.idx.msk [tilespmem:v7+s4+$0x0], $0xffff  }
0x1e3: {  	v8 =	vld.idx.msk [tilespmem:v8+s4+$0x0], $0xffff  }
0x1e4: {  	v9 =	vld.idx.msk [tilespmem:v9+s4+$0x0], $0xffff  }
0x1e5: {  	v17 =	vld.idx.msk [tilespmem:v17+s4+$0x0], $0xffff  }
0x1e6: {  	v11 =	vld.idx.msk [tilespmem:v11+s4+$0x0], $0xffff;
	v1 =	vshll.u32 v1, $0x10;
	v2 =	vand.u32 $0xFFFF0000, v2  }
0x1e7: {  	v12 =	vld.idx.msk [tilespmem:v12+s4+$0x0], $0xffff;
	v1 =	vadd.f32 v2, v1;
	v2 =	vmul.f32 v10, v0  }
0x1e8: {  	v13 =	vld.idx.msk [tilespmem:v13+s4+$0x0], $0xffff  }
0x1e9: {  	v14 =	vld.idx.msk [tilespmem:v14+s4+$0x0], $0xffff;
	v1 =	vadd.f32 v1, v2  }
0x1ea: {  	v15 =	vld.idx.msk [tilespmem:v15+s4+$0x0], $0xffff;
	v2 =	vand.u32 $0xFFFF0000, v5  }
0x1eb: {  	v16 =	vld.idx.msk [tilespmem:v16+s4+$0x0], $0xffff;
	v5 =	vshll.u32 v8, $0x10;
	v18 =	vmax.f32 v1, $0.0e+00;
	v1 =	vshll.u32 v4, $0x10  }
0x1ec: {  	v8 =	vshll.u32 v17, $0x10;
	v1 =	vadd.f32 v2, v1;
	v2 =	vshll.u32 v6, $0x10;
	v6 =	vld [tilespmem:s14+$0xFFFFFFC0]  }
0x1ed: {  	v19 =	vld [tilespmem:s14+$0xFFFFFFD0];
	v4 =	vand.u32 $0xFFFF0000, v3;
	v3 =	vand.u32 $0xFFFF0000, v7;
	v7 =	vand.u32 $0xFFFF0000, v9  }
0x1ee: {  	v10 =	vld [tilespmem:s14+$0xFFFFFFE0];
	v9 =	vand.u32 $0xFFFF0000, v14;
	v2 =	vadd.f32 v3, v2;
	v3 =	vadd.f32 v7, v5  }
0x1ef: {  	v7 =	vadd.f32 v4, v8;
	v4 =	vshll.u32 v11, $0x10;
	v5 =	vand.u32 $0xFFFF0000, v12;
	v11 =	vld [tilespmem:s14+$0xFFFFFFF0]  }
0x1f0: {  	v8 =	vld [tilespmem:s14+$0x0];
	v12 =	vshll.u32 v15, $0x10;
	v4 =	vadd.f32 v5, v4;
	v5 =	vshll.u32 v13, $0x10  }
0x1f1: {  	s28 =	simm.s32 $0x0;
	s24 =	simm.s32 $0x770;
	s31 =	simm.s32 $0x19FC0;
	v15 =	vand.u32 $0xFFFF0000, v16;
	v5 =	vadd.f32 v9, v5;
	v9 =	vld [tilespmem:s14+$0x10];
	v14 =	vmul.f32 v6, v0  }
0x1f2: {  	s9 =	simm.s32 $0x1A680;
	s6 =	simm.s32 $0x1E680;
	s26 =	simm.s32 $0x1C680;
	[tilespmem:s14+$0x30] =	vst v18;
	v13 =	vmul.f32 v19, v0;
	v6 =	vadd.f32 v15, v12;
	v12 =	vld [tilespmem:s14+$0x20]  }
.LBB2_21:
0x1f3: {  	v15 =	vld [tilespmem:s31+$0x30];
	v7 =	vadd.f32 v7, v14;
	v10 =	vmul.f32 v10, v0;
	s16 =	sadd.s32 $0x80, s16  }
0x1f4: {  	s28 =	sadd.s32 $0x80, s28;
	v14 =	vld [tilespmem:s16+$0x30];
	v1 =	vadd.f32 v1, v13;
	v11 =	vmul.f32 v11, v0  }
0x1f5: {  	p0 =	slt.u32 s28, $0x700;
	v13 =	vld [tilespmem:s16+$0xFFFFFFC0];
	v7 =	vmax.f32 v7, $0.0e+00;
	v2 =	vadd.f32 v2, v10;
	v8 =	vmul.f32 v8, v0  }
0x1f6: {  	v10 =	vld [tilespmem:s31+$0xFFFFFFD0];
	[tilespmem:s14+$0xFFFFFFC0] =	vst v7;
	v1 =	vmax.f32 v1, $0.0e+00;
	v3 =	vadd.f32 v3, v11;
	v7 =	vmul.f32 v9, v0  }
0x1f7: {  	v9 =	vld [tilespmem:s16+$0xFFFFFFD0];
	[tilespmem:s14+$0xFFFFFFD0] =	vst v1;
	v1 =	vmax.f32 v2, $0.0e+00;
	v2 =	vadd.f32 v4, v8;
	v4 =	vmul.f32 v12, v0  }
0x1f8: {  	v8 =	vld [tilespmem:s31+$0xFFFFFFE0];
	[tilespmem:s14+$0xFFFFFFE0] =	vst v1;
	v1 =	vmax.f32 v3, $0.0e+00;
	v3 =	vadd.f32 v5, v7  }
0x1f9: {  	v5 =	vld [tilespmem:s16+$0xFFFFFFE0];
	[tilespmem:s14+$0xFFFFFFF0] =	vst v1;
	v1 =	vmax.f32 v2, $0.0e+00;
	v2 =	vadd.f32 v6, v4  }
0x1fa: {  	v4 =	vld [tilespmem:s31+$0xFFFFFFF0];
	[tilespmem:s14+$0x0] =	vst v1;
	v1 =	vmax.f32 v3, $0.0e+00  }
0x1fb: {  	v3 =	vld.idx.msk [tilespmem:v15+s4+$0x0], $0xffff;
	[tilespmem:s14+$0x10] =	vst v1;
	v1 =	vmax.f32 v2, $0.0e+00  }
0x1fc: {  	v2 =	vld.idx.msk [tilespmem:v14+s4+$0x0], $0xffff;
	[tilespmem:s14+$0x20] =	vst v1  }
0x1fd: {  	s14 =	sadd.s32 $0x80, s14;
	v1 =	vld [tilespmem:s16+$0xFFFFFFF0]  }
0x1fe: {  	v6 =	vld [tilespmem:s14+$0x30]  }
0x1ff: {  	v7 =	vld [tilespmem:s31+$0x0]  }
0x200: {  	v11 =	vld [tilespmem:s16+$0x0]  }
0x201: {  	v12 =	vld [tilespmem:s31+$0x10]  }
0x202: {  	v3 =	vshll.u32 v3, $0x10;
	v2 =	vand.u32 $0xFFFF0000, v2;
	v14 =	vld [tilespmem:s16+$0x10]  }
0x203: {  	v2 =	vadd.f32 v2, v3;
	v15 =	vld [tilespmem:s31+$0x20];
	v3 =	vmul.f32 v6, v0  }
0x204: {  	v6 =	vld [tilespmem:s16+$0x20]  }
0x205: {  	v16 =	vld [tilespmem:s31+$0xFFFFFFC0];
	v2 =	vadd.f32 v2, v3  }
0x206: {  	v3 =	vld.idx.msk [tilespmem:v13+s4+$0x0], $0xffff  }
0x207: {  	v10 =	vld.idx.msk [tilespmem:v10+s4+$0x0], $0xffff;
	v2 =	vmax.f32 v2, $0.0e+00  }
0x208: {  	v9 =	vld.idx.msk [tilespmem:v9+s4+$0x0], $0xffff;
	[tilespmem:s14+$0x30] =	vst v2  }
0x209: {  	v2 =	vld.idx.msk [tilespmem:v8+s4+$0x0], $0xffff  }
0x20a: {  	v5 =	vld.idx.msk [tilespmem:v5+s4+$0x0], $0xffff  }
0x20b: {  	v4 =	vld.idx.msk [tilespmem:v4+s4+$0x0], $0xffff  }
0x20c: {  	v8 =	vand.u32 $0xFFFF0000, v3;
	v3 =	vld.idx.msk [tilespmem:v1+s4+$0x0], $0xffff  }
0x20d: {  	v1 =	vshll.u32 v10, $0x10;
	v13 =	vld.idx.msk [tilespmem:v16+s4+$0x0], $0xffff  }
0x20e: {  	v9 =	vand.u32 $0xFFFF0000, v9;
	v10 =	vld.idx.msk [tilespmem:v7+s4+$0x0], $0xffff  }
0x20f: {  	v1 =	vadd.f32 v9, v1;
	v2 =	vshll.u32 v2, $0x10;
	v9 =	vld.idx.msk [tilespmem:v11+s4+$0x0], $0xffff  }
0x210: {  	v5 =	vand.u32 $0xFFFF0000, v5;
	v11 =	vld.idx.msk [tilespmem:v12+s4+$0x0], $0xffff  }
0x211: {  	v2 =	vadd.f32 v5, v2;
	v4 =	vshll.u32 v4, $0x10;
	v5 =	vld.idx.msk [tilespmem:v14+s4+$0x0], $0xffff  }
0x212: {  	v3 =	vand.u32 $0xFFFF0000, v3;
	v12 =	vld.idx.msk [tilespmem:v15+s4+$0x0], $0xffff  }
0x213: {  	v7 =	vshll.u32 v13, $0x10;
	v3 =	vadd.f32 v3, v4;
	v6 =	vld.idx.msk [tilespmem:v6+s4+$0x0], $0xffff  }
0x214: {  	v7 =	vadd.f32 v8, v7;
	v4 =	vshll.u32 v10, $0x10;
	v13 =	vld [tilespmem:s14+$0xFFFFFFC0]  }
0x215: {  	v8 =	vand.u32 $0xFFFF0000, v9;
	v15 =	vld [tilespmem:s14+$0xFFFFFFD0]  }
.Ltmp16:
0x216: {  	v4 =	vadd.f32 v8, v4;
	v9 =	vshll.u32 v11, $0x10;
	v10 =	vld [tilespmem:s14+$0xFFFFFFE0];
	(pc) =	sbr.rel @p0 .LBB2_21-.Ltmp16, $4  }
0x217: {  	v5 =	vand.u32 $0xFFFF0000, v5;
	v11 =	vld [tilespmem:s14+$0xFFFFFFF0]  }
0x218: {  	v5 =	vadd.f32 v5, v9;
	v12 =	vshll.u32 v12, $0x10;
	v8 =	vld [tilespmem:s14+$0x0]  }
0x219: {  	v6 =	vand.u32 $0xFFFF0000, v6;
	v14 =	vmul.f32 v13, v0;
	v9 =	vld [tilespmem:s14+$0x10]  }
0x21a: {  	s31 =	sadd.s32 $0x80, s31;
	v6 =	vadd.f32 v6, v12;
	v13 =	vmul.f32 v15, v0;
	v12 =	vld [tilespmem:s14+$0x20]  }
0x21b: {  	v7 =	vadd.f32 v7, v14;
	v10 =	vmul.f32 v10, v0  }
0x21c: {  	v1 =	vadd.f32 v1, v13;
	v11 =	vmul.f32 v11, v0  }
0x21d: {  	v7 =	vmax.f32 v7, $0.0e+00;
	v2 =	vadd.f32 v2, v10;
	v8 =	vmul.f32 v8, v0  }
0x21e: {  	[tilespmem:s14+$0xFFFFFFC0] =	vst v7;
	v1 =	vmax.f32 v1, $0.0e+00;
	v3 =	vadd.f32 v3, v11;
	v62 =	vmul.f32 v9, v0  }
0x21f: {  	[tilespmem:s14+$0xFFFFFFD0] =	vst v1;
	v1 =	vmax.f32 v2, $0.0e+00;
	v2 =	vadd.f32 v4, v8;
	v63 =	vmul.f32 v12, v0  }
0x220: {  	[tilespmem:s14+$0xFFFFFFE0] =	vst v1;
	v1 =	vmax.f32 v3, $0.0e+00;
	v3 =	vadd.f32 v5, v62  }
0x221: {  	[tilespmem:s14+$0xFFFFFFF0] =	vst v1;
	v1 =	vmax.f32 v2, $0.0e+00;
	v2 =	vadd.f32 v6, v63  }
0x222: {  	[tilespmem:s14+$0x0] =	vst v1;
	v1 =	vmax.f32 v3, $0.0e+00  }
0x223: {  	[tilespmem:s14+$0x10] =	vst v1;
	v1 =	vmax.f32 v2, $0.0e+00  }
0x224: {  	[tilespmem:s14+$0x20] =	vst v1  }
.LBB2_23:
0x225: {  	v1 =	vld [tilespmem:s9+$0x0]  }
0x226: {  	v2 =	vld [tilespmem:s26+$0x0];
	_ =	sdelay $0x6  }
0x227: {  	v1 =	vld.idx.msk [tilespmem:v1+s4+$0x0], $0xffff  }
0x228: {  	v2 =	vld.idx.msk [tilespmem:v2+s4+$0x0], $0xffff  }
0x229: {  	v3 =	vld [tilespmem:s6+$0x0];
	_ =	sdelay $0x3  }
0x22a: {  	s24 =	sadd.s32 $0x10, s24;
	v1 =	vshll.u32 v1, $0x10;
	v2 =	vand.u32 $0xFFFF0000, v2  }
0x22b: {  	p0 =	slt.u32 s24, $0x7C0;
	v1 =	vadd.f32 v2, v1;
	v2 =	vmul.f32 v3, v0  }
.Ltmp17:
0x22c: {  	_ = 	snop;
	(pc) =	sbr.rel @p0 .LBB2_23-.Ltmp17, $3  }
0x22d: {  	v1 =	vadd.f32 v1, v2;
	_ =	sdelay $0x1  }
0x22e: {  	v1 =	vmax.f32 v1, $0.0e+00  }
0x22f: {  	s26 =	sadd.s32 $0x10, s26;
	s9 =	sadd.s32 $0x10, s9;
	[tilespmem:s6+$0x0] =	vst v1;
	s6 =	sadd.s32 $0x10, s6  }
.Ltmp18:
0x230: {  	(pc) =	sbr.rel .LBB2_25-.Ltmp18, $4  }
0x231: {  	_ = 	snop  }
0x232: {  	s6 =	sshrl.u32 s13, $0x3  }
0x233: {  	s6 =	sadd.s32 s3, s6  }
0x234: {  	[hbm4b:s6+s4] =	stream.linear.scatter [tilespmem:s0], [sflag:$0x8], $0x7D0, $0x38;
	[tilespmem:$0x1E780] =	vst v63  }
.LBB2_27:
0x235: {  	_ =	sfence.sel $0x180000  }
0x236: {  	[bflag:$0x0] =	sbarrier.arrive $0xFFFF  }
0x237: {  	_ =	strace $0x90000047  }
0x238: {  	s0 =	stileid.u32;
	[bflag:$0x2] =	sbarrier.arrive $0xFFFF  }
0x239: {  	p0 =	sne.s32 s0, $0x0;
	s0 =	rddreg [dreg:$0x3]  }
0x23a: {  	s0 =	sadd.s32 @!p0 $0x100000, s0  }
0x23b: {  	[sflag:s0] =	ssyncadd.tile.s32 @!p0 $0x1;
	_ =	shalt  }
.Lfunc_end2:
_tile_overlayer_lowered:
.L_overlay_start_2:
0x23c: {  	(tag) =	ssettag $0x2  }
0x23d: {  	s0 =	rddreg [dreg:$0x0];
	s2 =	stileid.u32  }
0x23e: {  	s1 =	rddreg [dreg:$0x1];
	p0 =	sne.s32 s2, $0x0  }
0x23f: {  	s3 =	rddreg [dreg:$0x2];
	[bflag:$0x3] =	sbarrier.arrive $0xFFFF;
	s2 =	simm.s32 @!p0 $0x1C09  }
0x240: {  	[timem:s3], [sflag:s2] =	dma.local @!p0 [hbm:s0], s1  }
0x241: {  	s0 =	simm.s32 @!p0 $0x9  }
0x242: {  	_ =	swait.ge @!p0 [sflag:s0], s1  }
0x243: {  	s1 =	ssub.s32 @!p0 $0x0, s1;
	[sflag:s0] =	ssyncset.done @!p0 $0x0  }
0x244: {  	[sflag:s0] =	ssyncadd.s32 @!p0 s1  }
0x245: {  	[bflag:$0x3] =	sbarrier.arrive $0xFFFF  }
0x246: {  	_ =	shalt  }

</sc_bundles>
